<compile_context>
chip_gen: v7x
topology: tpu7x:2x2x1
jax: 0.10.2.dev20260603
libtpu: 0.0.44.dev20260713+nightly
codegen_flags: <defaults>
</compile_context>

<pallas_src>
import functools

import jax
import jax.numpy as jnp
from jax import lax
from jax.experimental import pallas as pl
from jax.experimental.pallas import tpu as pltpu
from jax.experimental.pallas import tpu_sc as plsc

N = 10000
E = 320000
D = 128
DH = D // 2

NC = 2
NS = 16
NW = NC * NS
K = 125
CH = E // (NW * K)
CH2 = E // (NS * K)
NPAD = 10240
SLAB = NPAD // NS
ZCH = SLAB // 5
NB = 4

BLK = 2000
NBLK = N // BLK

_mesh = plsc.VectorSubcoreMesh(core_axis_name="c", subcore_axis_name="s")


def _sc_degree(ei4, ones8, zeros8):

    @functools.partial(
        pl.kernel,
        out_type=jax.ShapeDtypeStruct((NC, NPAD, 8), jnp.float32),
        mesh=_mesh,
        scratch_types=[
            pltpu.VMEM((CH, K), jnp.int32),
            pltpu.VMEM((K, 8), jnp.float32),
            pltpu.VMEM((SLAB, 8), jnp.float32),
            pltpu.VMEM_SHARED((NPAD, 8), jnp.float32),
            pltpu.SemaphoreType.DMA,
        ],
        compiler_params=pltpu.CompilerParams(use_tc_tiling_on_sc=False),
    )
    def deg_kernel(ei_hbm, ones_hbm, zeros_hbm, out_hbm, dst_v, ones_v, zb_v,
                   deg_sh, sem):
        c = lax.axis_index("c")
        s = lax.axis_index("s")
        pltpu.sync_copy(ei_hbm.at[1, s, pl.ds(c * CH, CH)], dst_v)
        pltpu.sync_copy(ones_hbm, ones_v)
        pltpu.sync_copy(zeros_hbm, zb_v)
        pltpu.sync_copy(zb_v, deg_sh.at[pl.ds(s * SLAB, SLAB)])
        plsc.subcore_barrier()

        def fire(j, carry):
            pltpu.async_copy(ones_v, deg_sh.at[dst_v.at[j]], sem, add=True)
            return carry

        lax.fori_loop(0, CH, fire, 0)

        def drain(j, carry):
            pltpu.make_async_copy(ones_v, deg_sh.at[dst_v.at[j]], sem).wait()
            return carry

        lax.fori_loop(0, CH, drain, 0)
        plsc.subcore_barrier()
        pltpu.sync_copy(deg_sh.at[pl.ds(s * SLAB, SLAB)],
                        out_hbm.at[c, pl.ds(s * SLAB, SLAB)])

    return deg_kernel(ei4, ones8, zeros8)


def _tc_transform(x, W, deg_p):

    def body(x_ref, w_ref, deg_ref, g_ref):
        h = jnp.dot(x_ref[...], w_ref[...], preferred_element_type=jnp.float32)
        d = deg_ref[...]
        dinv = lax.rsqrt(d[0, :, 0:1] + d[1, :, 0:1] + 1.0)
        g = h * dinv
        g_ref[0, :, :] = g[:, :DH]
        g_ref[1, :, :] = g[:, DH:]

    return pl.pallas_call(
        body,
        grid=(NBLK,),
        in_specs=[
            pl.BlockSpec((BLK, D), lambda i: (i, 0)),
            pl.BlockSpec((D, D), lambda i: (0, 0)),
            pl.BlockSpec((NC, BLK, 8), lambda i: (0, i, 0)),
        ],
        out_specs=pl.BlockSpec((NC, BLK, DH), lambda i: (0, i, 0)),
        out_shape=jax.ShapeDtypeStruct((NC, N, DH), jnp.float32),
    )(x, W, deg_p)


def _sc_scatter(g2, ei4, zerosD):

    @functools.partial(
        pl.kernel,
        out_type=jax.ShapeDtypeStruct((NC, NPAD, DH), jnp.float32),
        mesh=_mesh,
        scratch_types=[
            pltpu.VMEM((CH2, K), jnp.int32),
            pltpu.VMEM((CH2, K), jnp.int32),
            [pltpu.VMEM((K, DH), jnp.float32)] * NB,
            pltpu.VMEM((ZCH, DH), jnp.float32),
            pltpu.VMEM_SHARED((NPAD, DH), jnp.float32),
            [pltpu.SemaphoreType.DMA] * NB,
            [pltpu.SemaphoreType.DMA] * NB,
        ],
        compiler_params=pltpu.CompilerParams(use_tc_tiling_on_sc=False),
    )
    def scat_kernel(g_hbm, ei_hbm, zeros_hbm, out_hbm,
                    src_v, dst_v, rows, zb_v, acc_sh, gsem, ssem):
        c = lax.axis_index("c")
        s = lax.axis_index("s")
        gc = g_hbm.at[c]
        pltpu.sync_copy(ei_hbm.at[0, s], src_v)
        pltpu.sync_copy(ei_hbm.at[1, s], dst_v)
        pltpu.sync_copy(zeros_hbm, zb_v)
        for k in range(SLAB // ZCH):
            pltpu.sync_copy(zb_v, acc_sh.at[pl.ds(s * SLAB + k * ZCH, ZCH)])
        plsc.subcore_barrier()

        for b in range(NB):
            pltpu.async_copy(gc.at[src_v.at[b]], rows[b], gsem[b])

        def body(block, carry):
            base = block * NB
            for b in range(NB):
                j = base + b
                pltpu.make_async_copy(gc.at[src_v.at[j]], rows[b],
                                      gsem[b]).wait()
                pltpu.async_copy(rows[b], acc_sh.at[dst_v.at[j]], ssem[b],
                                 add=True)
            for b in range(NB):
                j = base + b
                pltpu.make_async_copy(rows[b], acc_sh.at[dst_v.at[j]],
                                      ssem[b]).wait()

                @pl.when(j + NB < CH2)
                def _():
                    pltpu.async_copy(gc.at[src_v.at[j + NB]], rows[b],
                                     gsem[b])

            return carry

        lax.fori_loop(0, CH2 // NB, body, 0)
        plsc.subcore_barrier()
        pltpu.sync_copy(acc_sh.at[pl.ds(s * SLAB, SLAB)],
                        out_hbm.at[c, pl.ds(s * SLAB, SLAB)])

    return scat_kernel(g2, ei4, zerosD)


def _tc_finish(acc_p, g2, deg_p, b):

    def body(acc_ref, g_ref, deg_ref, b_ref, o_ref):
        d = deg_ref[...]
        dinv = lax.rsqrt(d[0, :, 0:1] + d[1, :, 0:1] + 1.0)
        a = jnp.concatenate([acc_ref[0] + g_ref[0], acc_ref[1] + g_ref[1]],
                            axis=-1)
        o_ref[...] = jnp.maximum(a * dinv + b_ref[...], 0.0)

    return pl.pallas_call(
        body,
        grid=(NBLK,),
        in_specs=[
            pl.BlockSpec((NC, BLK, DH), lambda i: (0, i, 0)),
            pl.BlockSpec((NC, BLK, DH), lambda i: (0, i, 0)),
            pl.BlockSpec((NC, BLK, 8), lambda i: (0, i, 0)),
            pl.BlockSpec((1, D), lambda i: (0, 0)),
        ],
        out_specs=pl.BlockSpec((BLK, D), lambda i: (i, 0)),
        out_shape=jax.ShapeDtypeStruct((N, D), jnp.float32),
    )(acc_p, g2, deg_p, b.reshape(1, D))


def kernel(x, edge_index, W, b):
    ei4 = edge_index.reshape(2, NS, CH2, K)
    ones8 = jnp.ones((K, 8), jnp.float32)
    zeros8 = jnp.zeros((SLAB, 8), jnp.float32)
    zerosD = jnp.zeros((ZCH, DH), jnp.float32)

    deg_p = _sc_degree(ei4, ones8, zeros8)
    g2 = _tc_transform(x, W, deg_p)
    acc_p = _sc_scatter(g2, ei4, zerosD)
    return _tc_finish(acc_p, g2, deg_p, b)

# --- scband reference (transcript-rebuilt; emitter-appended) ---
"""Pipeline reference for scband-message-passing-layer-515396076076 (READ-ONLY COPY).

The authoritative reference and input builder live on the scoring server;
editing this copy changes nothing except your own understanding.
"""

import jax, jax.numpy as jnp
import numpy as np

N = 10000
E = 320000
D_IN = 128
D_OUT = 128


def setup_inputs(seed: int = 0) -> dict:
    key = jax.random.key(seed)
    k1, k2, k3, k4 = jax.random.split(key, 4)
    x = jax.random.normal(k1, (N, D_IN), dtype=jnp.float32)
    edge_index = jax.random.randint(k2, (2, E), 0, N, dtype=jnp.int32)
    # GCNConv learned parameters (lin weight + bias)
    W = jax.random.normal(k3, (D_IN, D_OUT), dtype=jnp.float32) * (1.0 / np.sqrt(D_IN))
    b = jax.random.normal(k4, (D_OUT,), dtype=jnp.float32) * 0.01
    return {"x": x, "edge_index": edge_index, "W": W, "b": b}


def reference(x, edge_index, W, b):
    # MessagePassingLayer.forward with message_passing_class = GCNConv,
    # norm = Identity, eval mode (dropout inactive).
    n = x.shape[0]
    src = edge_index[0]
    dst = edge_index[1]
    # GCNConv adds self-loops
    loop = jnp.arange(n, dtype=src.dtype)
    src = jnp.concatenate([src, loop])
    dst = jnp.concatenate([dst, loop])
    # linear transform
    h = x @ W
    # symmetric degree normalization (deg includes self-loops, so >= 1)
    deg = jnp.zeros((n,), dtype=x.dtype).at[dst].add(1.0)
    dinv = jax.lax.rsqrt(deg)
    coef = dinv[src] * dinv[dst]
    # gather messages, scale, scatter-add to destination nodes
    msg = h[src] * coef[:, None]
    out = jnp.zeros((n, h.shape[1]), dtype=x.dtype).at[dst].add(msg)
    out = out + b
    # norm = Identity, then ReLU; dropout is a no-op in eval mode
    out = jax.nn.relu(out)
    return out

if __name__ == "__main__":
    import jax
    _d = setup_inputs()
    print(jax.jit(kernel)(*tuple(_d.values())))

</pallas_src>

<mosaic_0001>
#map = affine_map<(d0, d1) -> (0, 0, 0, 0)>
#map1 = affine_map<(d0, d1) -> (0, 0)>
#map2 = affine_map<(d0, d1) -> (0, 0, 0)>
module attributes {stable_mosaic.version = 14 : i64} {
  func.func @deg_kernel(%arg0: i32, %arg1: i32, %arg2: memref<2x16x160x125xi32, #tpu.memory_space<hbm>>, %arg3: memref<125x8xf32, #tpu.memory_space<hbm>>, %arg4: memref<640x8xf32, #tpu.memory_space<hbm>>, %arg5: memref<2x10240x8xf32, #tpu.memory_space<hbm>>, %arg6: memref<80x125xi32, #tpu.memory_space<vmem>>, %arg7: memref<125x8xf32, #tpu.memory_space<vmem>>, %arg8: memref<640x8xf32, #tpu.memory_space<vmem>>, %arg9: memref<10240x8xf32, #tpu.memory_space<vmem_shared>>, %arg10: memref<!tpu.dma_semaphore, #tpu.memory_space<semaphore_mem>>) attributes {dimension_semantics = [#tpu.dimension_semantics<core_parallel>, #tpu.dimension_semantics<subcore_parallel>], iteration_bounds = array<i64: 2, 16>, scalar_prefetch = 0 : i64, scratch_operands = 5 : i64, tpu.core_type = #tpu.core_type<sc_vector_subcore>, window_params = [{transform_indices = #map}, {transform_indices = #map1}, {transform_indices = #map1}, {transform_indices = #map2}]} {
    %mul3A = arith.constant 80 : i32
    %mul3A_0 = arith.muli %arg0, %mul3A : i32
    %run_scoped3A = arith.constant 1 : i32
    "tpu.region"() ({
      %run_scoped3A_19 = tpu.sem_alloc : memref<!tpu.dma_semaphore, #tpu.memory_space<semaphore_mem>>
      %dma_start3A = arith.constant 0 : i32
      %dma_start3A_20 = tpu.memref_slice %arg2[%run_scoped3A, %arg1, %mul3A_0, %dma_start3A] : memref<2x16x160x125xi32, #tpu.memory_space<hbm>> -> memref<1x1x80x125xi32, #tpu.memory_space<hbm>>
      %dma_start3A_21 = tpu.memref_squeeze %dma_start3A_20 : memref<1x1x80x125xi32, #tpu.memory_space<hbm>> -> memref<80x125xi32, #tpu.memory_space<hbm>>
      %dma_start3A_22 = arith.constant 0 : i32
      %dma_start3A_23 = tpu.memref_slice %arg2[%run_scoped3A, %arg1, %mul3A_0, %dma_start3A_22] : memref<2x16x160x125xi32, #tpu.memory_space<hbm>> -> memref<1x1x80x125xi32, #tpu.memory_space<hbm>>
      %dma_start3A_24 = tpu.memref_squeeze %dma_start3A_23 : memref<1x1x80x125xi32, #tpu.memory_space<hbm>> -> memref<80x125xi32, #tpu.memory_space<hbm>>
      tpu.enqueue_dma source(%dma_start3A_24 : memref<80x125xi32, #tpu.memory_space<hbm>>) target(%arg6 : memref<80x125xi32, #tpu.memory_space<vmem>>) target_semaphore(%run_scoped3A_19 : memref<!tpu.dma_semaphore, #tpu.memory_space<semaphore_mem>>)
      %dma_wait3A = arith.constant 0 : i32
      %dma_wait3A_25 = tpu.memref_slice %arg2[%run_scoped3A, %arg1, %mul3A_0, %dma_wait3A] : memref<2x16x160x125xi32, #tpu.memory_space<hbm>> -> memref<1x1x80x125xi32, #tpu.memory_space<hbm>>
      %dma_wait3A_26 = tpu.memref_squeeze %dma_wait3A_25 : memref<1x1x80x125xi32, #tpu.memory_space<hbm>> -> memref<80x125xi32, #tpu.memory_space<hbm>>
      %dma_wait3A_27 = arith.constant 0 : i32
      %dma_wait3A_28 = tpu.memref_slice %arg2[%run_scoped3A, %arg1, %mul3A_0, %dma_wait3A_27] : memref<2x16x160x125xi32, #tpu.memory_space<hbm>> -> memref<1x1x80x125xi32, #tpu.memory_space<hbm>>
      %dma_wait3A_29 = tpu.memref_squeeze %dma_wait3A_28 : memref<1x1x80x125xi32, #tpu.memory_space<hbm>> -> memref<80x125xi32, #tpu.memory_space<hbm>>
      tpu.wait_dma2 semaphore(%run_scoped3A_19 : memref<!tpu.dma_semaphore, #tpu.memory_space<semaphore_mem>>) src(%dma_wait3A_29 : memref<80x125xi32, #tpu.memory_space<hbm>>) dst(%arg6 : memref<80x125xi32, #tpu.memory_space<vmem>>)
      tpu.yield
    }) : () -> ()
    "tpu.region"() ({
      %run_scoped3A_19 = tpu.sem_alloc : memref<!tpu.dma_semaphore, #tpu.memory_space<semaphore_mem>>
      tpu.enqueue_dma source(%arg3 : memref<125x8xf32, #tpu.memory_space<hbm>>) target(%arg7 : memref<125x8xf32, #tpu.memory_space<vmem>>) target_semaphore(%run_scoped3A_19 : memref<!tpu.dma_semaphore, #tpu.memory_space<semaphore_mem>>)
      tpu.wait_dma2 semaphore(%run_scoped3A_19 : memref<!tpu.dma_semaphore, #tpu.memory_space<semaphore_mem>>) src(%arg3 : memref<125x8xf32, #tpu.memory_space<hbm>>) dst(%arg7 : memref<125x8xf32, #tpu.memory_space<vmem>>)
      tpu.yield
    }) : () -> ()
    "tpu.region"() ({
      %run_scoped3A_19 = tpu.sem_alloc : memref<!tpu.dma_semaphore, #tpu.memory_space<semaphore_mem>>
      tpu.enqueue_dma source(%arg4 : memref<640x8xf32, #tpu.memory_space<hbm>>) target(%arg8 : memref<640x8xf32, #tpu.memory_space<vmem>>) target_semaphore(%run_scoped3A_19 : memref<!tpu.dma_semaphore, #tpu.memory_space<semaphore_mem>>)
      tpu.wait_dma2 semaphore(%run_scoped3A_19 : memref<!tpu.dma_semaphore, #tpu.memory_space<semaphore_mem>>) src(%arg4 : memref<640x8xf32, #tpu.memory_space<hbm>>) dst(%arg8 : memref<640x8xf32, #tpu.memory_space<vmem>>)
      tpu.yield
    }) : () -> ()
    %mul3A_1 = arith.constant 640 : i32
    %mul3A_2 = arith.muli %arg1, %mul3A_1 : i32
    "tpu.region"() ({
      %run_scoped3A_19 = tpu.sem_alloc : memref<!tpu.dma_semaphore, #tpu.memory_space<semaphore_mem>>
      %dma_start3A = arith.constant 0 : i32
      %dma_start3A_20 = tpu.memref_slice %arg9[%mul3A_2, %dma_start3A] : memref<10240x8xf32, #tpu.memory_space<vmem_shared>> -> memref<640x8xf32, #tpu.memory_space<vmem_shared>>
      %dma_start3A_21 = arith.constant 0 : i32
      %dma_start3A_22 = tpu.memref_slice %arg9[%mul3A_2, %dma_start3A_21] : memref<10240x8xf32, #tpu.memory_space<vmem_shared>> -> memref<640x8xf32, #tpu.memory_space<vmem_shared>>
      tpu.enqueue_dma source(%arg8 : memref<640x8xf32, #tpu.memory_space<vmem>>) target(%dma_start3A_22 : memref<640x8xf32, #tpu.memory_space<vmem_shared>>) target_semaphore(%run_scoped3A_19 : memref<!tpu.dma_semaphore, #tpu.memory_space<semaphore_mem>>)
      %dma_wait3A = arith.constant 0 : i32
      %dma_wait3A_23 = tpu.memref_slice %arg9[%mul3A_2, %dma_wait3A] : memref<10240x8xf32, #tpu.memory_space<vmem_shared>> -> memref<640x8xf32, #tpu.memory_space<vmem_shared>>
      %dma_wait3A_24 = arith.constant 0 : i32
      %dma_wait3A_25 = tpu.memref_slice %arg9[%mul3A_2, %dma_wait3A_24] : memref<10240x8xf32, #tpu.memory_space<vmem_shared>> -> memref<640x8xf32, #tpu.memory_space<vmem_shared>>
      tpu.wait_dma2 semaphore(%run_scoped3A_19 : memref<!tpu.dma_semaphore, #tpu.memory_space<semaphore_mem>>) src(%arg8 : memref<640x8xf32, #tpu.memory_space<vmem>>) dst(%dma_wait3A_25 : memref<640x8xf32, #tpu.memory_space<vmem_shared>>)
      tpu.yield
    }) : () -> ()
    %barrier3A = arith.constant 0 : index
    tpu.barrier barrier_id(%barrier3A)
    %scan3A = arith.constant 0 : i32
    %scan3A_3 = arith.constant 0 : i32
    %scan3A_4 = arith.constant 80 : i32
    %scan3A_5 = arith.addi %scan3A_3, %scan3A_4 : i32
    %scan3A_6 = arith.constant 1 : i32
    scf.for %scan3A_19 = %scan3A_3 to %scan3A_5 step %scan3A_6  : i32 {
      %dma_start3A = arith.constant 0 : i32
      %dma_start3A_20 = tpu.memref_slice %arg6[%scan3A_19, %dma_start3A] : memref<80x125xi32, #tpu.memory_space<vmem>> -> memref<1x125xi32, #tpu.memory_space<vmem>>
      %dma_start3A_21 = tpu.memref_squeeze %dma_start3A_20 : memref<1x125xi32, #tpu.memory_space<vmem>> -> memref<125xi32, #tpu.memory_space<vmem>>
      %dma_start3A_22 = arith.constant 0 : i32
      %dma_start3A_23 = arith.constant 0 : i32
      %dma_start3A_24 = tpu.memref_slice %arg9[%dma_start3A_22, %dma_start3A_23] : memref<10240x8xf32, #tpu.memory_space<vmem_shared>> -> memref<10240x8xf32, #tpu.memory_space<vmem_shared>>
      tpu.enqueue_indirect_dma source(%arg7 : memref<125x8xf32, #tpu.memory_space<vmem>>) target(%dma_start3A_24 : memref<10240x8xf32, #tpu.memory_space<vmem_shared>>) offsets(%dma_start3A_21 : memref<125xi32, #tpu.memory_space<vmem>>) semaphore(%arg10 : memref<!tpu.dma_semaphore, #tpu.memory_space<semaphore_mem>>) {add = true}
    }
    %scan3A_7 = arith.constant 80 : i32
    %scan3A_8 = arith.constant 0 : i32
    %scan3A_9 = arith.constant 0 : i32
    %scan3A_10 = arith.constant 80 : i32
    %scan3A_11 = arith.addi %scan3A_9, %scan3A_10 : i32
    %scan3A_12 = arith.constant 1 : i32
    scf.for %scan3A_19 = %scan3A_9 to %scan3A_11 step %scan3A_12  : i32 {
      %dma_wait3A = arith.constant 0 : i32
      %dma_wait3A_20 = tpu.memref_slice %arg6[%scan3A_19, %dma_wait3A] : memref<80x125xi32, #tpu.memory_space<vmem>> -> memref<1x125xi32, #tpu.memory_space<vmem>>
      %dma_wait3A_21 = tpu.memref_squeeze %dma_wait3A_20 : memref<1x125xi32, #tpu.memory_space<vmem>> -> memref<125xi32, #tpu.memory_space<vmem>>
      %dma_wait3A_22 = arith.constant 0 : i32
      %dma_wait3A_23 = arith.constant 0 : i32
      %dma_wait3A_24 = tpu.memref_slice %arg9[%dma_wait3A_22, %dma_wait3A_23] : memref<10240x8xf32, #tpu.memory_space<vmem_shared>> -> memref<10240x8xf32, #tpu.memory_space<vmem_shared>>
      tpu.wait_indirect_dma semaphore(%arg10 : memref<!tpu.dma_semaphore, #tpu.memory_space<semaphore_mem>>) src(%arg7 : memref<125x8xf32, #tpu.memory_space<vmem>>) dst(%dma_wait3A_24 : memref<10240x8xf32, #tpu.memory_space<vmem_shared>>)
    }
    %scan3A_13 = arith.constant 80 : i32
    %barrier3A_14 = arith.constant 0 : index
    tpu.barrier barrier_id(%barrier3A_14)
    %mul3A_15 = arith.constant 640 : i32
    %mul3A_16 = arith.muli %arg1, %mul3A_15 : i32
    %mul3A_17 = arith.constant 640 : i32
    %mul3A_18 = arith.muli %arg1, %mul3A_17 : i32
    "tpu.region"() ({
      %run_scoped3A_19 = tpu.sem_alloc : memref<!tpu.dma_semaphore, #tpu.memory_space<semaphore_mem>>
      %dma_start3A = arith.constant 0 : i32
      %dma_start3A_20 = tpu.memref_slice %arg5[%arg0, %mul3A_18, %dma_start3A] : memref<2x10240x8xf32, #tpu.memory_space<hbm>> -> memref<1x640x8xf32, #tpu.memory_space<hbm>>
      %dma_start3A_21 = tpu.memref_squeeze %dma_start3A_20 : memref<1x640x8xf32, #tpu.memory_space<hbm>> -> memref<640x8xf32, #tpu.memory_space<hbm>>
      %dma_start3A_22 = arith.constant 0 : i32
      %dma_start3A_23 = tpu.memref_slice %arg9[%mul3A_16, %dma_start3A_22] : memref<10240x8xf32, #tpu.memory_space<vmem_shared>> -> memref<640x8xf32, #tpu.memory_space<vmem_shared>>
      tpu.enqueue_dma source(%dma_start3A_23 : memref<640x8xf32, #tpu.memory_space<vmem_shared>>) target(%dma_start3A_21 : memref<640x8xf32, #tpu.memory_space<hbm>>) target_semaphore(%run_scoped3A_19 : memref<!tpu.dma_semaphore, #tpu.memory_space<semaphore_mem>>)
      %dma_wait3A = arith.constant 0 : i32
      %dma_wait3A_24 = tpu.memref_slice %arg5[%arg0, %mul3A_18, %dma_wait3A] : memref<2x10240x8xf32, #tpu.memory_space<hbm>> -> memref<1x640x8xf32, #tpu.memory_space<hbm>>
      %dma_wait3A_25 = tpu.memref_squeeze %dma_wait3A_24 : memref<1x640x8xf32, #tpu.memory_space<hbm>> -> memref<640x8xf32, #tpu.memory_space<hbm>>
      %dma_wait3A_26 = arith.constant 0 : i32
      %dma_wait3A_27 = tpu.memref_slice %arg9[%mul3A_16, %dma_wait3A_26] : memref<10240x8xf32, #tpu.memory_space<vmem_shared>> -> memref<640x8xf32, #tpu.memory_space<vmem_shared>>
      tpu.wait_dma2 semaphore(%run_scoped3A_19 : memref<!tpu.dma_semaphore, #tpu.memory_space<semaphore_mem>>) src(%dma_wait3A_27 : memref<640x8xf32, #tpu.memory_space<vmem_shared>>) dst(%dma_wait3A_25 : memref<640x8xf32, #tpu.memory_space<hbm>>)
      tpu.yield
    }) : () -> ()
    return
  }
}

#map = affine_map<(d0, d1) -> (0, 0, 0)>
#map1 = affine_map<(d0, d1) -> (0, 0, 0, 0)>
#map2 = affine_map<(d0, d1) -> (0, 0)>
module attributes {stable_mosaic.version = 14 : i64} {
  func.func @scat_kernel(%arg0: i32, %arg1: i32, %arg2: memref<2x10000x64xf32, #tpu.memory_space<hbm>>, %arg3: memref<2x16x160x125xi32, #tpu.memory_space<hbm>>, %arg4: memref<128x64xf32, #tpu.memory_space<hbm>>, %arg5: memref<2x10240x64xf32, #tpu.memory_space<hbm>>, %arg6: memref<160x125xi32, #tpu.memory_space<vmem>>, %arg7: memref<160x125xi32, #tpu.memory_space<vmem>>, %arg8: memref<125x64xf32, #tpu.memory_space<vmem>>, %arg9: memref<125x64xf32, #tpu.memory_space<vmem>>, %arg10: memref<125x64xf32, #tpu.memory_space<vmem>>, %arg11: memref<125x64xf32, #tpu.memory_space<vmem>>, %arg12: memref<128x64xf32, #tpu.memory_space<vmem>>, %arg13: memref<10240x64xf32, #tpu.memory_space<vmem_shared>>, %arg14: memref<!tpu.dma_semaphore, #tpu.memory_space<semaphore_mem>>, %arg15: memref<!tpu.dma_semaphore, #tpu.memory_space<semaphore_mem>>, %arg16: memref<!tpu.dma_semaphore, #tpu.memory_space<semaphore_mem>>, %arg17: memref<!tpu.dma_semaphore, #tpu.memory_space<semaphore_mem>>, %arg18: memref<!tpu.dma_semaphore, #tpu.memory_space<semaphore_mem>>, %arg19: memref<!tpu.dma_semaphore, #tpu.memory_space<semaphore_mem>>, %arg20: memref<!tpu.dma_semaphore, #tpu.memory_space<semaphore_mem>>, %arg21: memref<!tpu.dma_semaphore, #tpu.memory_space<semaphore_mem>>) attributes {dimension_semantics = [#tpu.dimension_semantics<core_parallel>, #tpu.dimension_semantics<subcore_parallel>], iteration_bounds = array<i64: 2, 16>, scalar_prefetch = 0 : i64, scratch_operands = 16 : i64, tpu.core_type = #tpu.core_type<sc_vector_subcore>, window_params = [{transform_indices = #map}, {transform_indices = #map1}, {transform_indices = #map2}, {transform_indices = #map}]} {
    %run_scoped3A = arith.constant 0 : i32
    "tpu.region"() ({
      %run_scoped3A_72 = tpu.sem_alloc : memref<!tpu.dma_semaphore, #tpu.memory_space<semaphore_mem>>
      %dma_start3A_73 = arith.constant 0 : i32
      %dma_start3A_74 = arith.constant 0 : i32
      %dma_start3A_75 = tpu.memref_slice %arg3[%run_scoped3A, %arg1, %dma_start3A_73, %dma_start3A_74] : memref<2x16x160x125xi32, #tpu.memory_space<hbm>> -> memref<1x1x160x125xi32, #tpu.memory_space<hbm>>
      %dma_start3A_76 = tpu.memref_squeeze %dma_start3A_75 : memref<1x1x160x125xi32, #tpu.memory_space<hbm>> -> memref<160x125xi32, #tpu.memory_space<hbm>>
      %dma_start3A_77 = arith.constant 0 : i32
      %dma_start3A_78 = arith.constant 0 : i32
      %dma_start3A_79 = tpu.memref_slice %arg3[%run_scoped3A, %arg1, %dma_start3A_77, %dma_start3A_78] : memref<2x16x160x125xi32, #tpu.memory_space<hbm>> -> memref<1x1x160x125xi32, #tpu.memory_space<hbm>>
      %dma_start3A_80 = tpu.memref_squeeze %dma_start3A_79 : memref<1x1x160x125xi32, #tpu.memory_space<hbm>> -> memref<160x125xi32, #tpu.memory_space<hbm>>
      tpu.enqueue_dma source(%dma_start3A_80 : memref<160x125xi32, #tpu.memory_space<hbm>>) target(%arg6 : memref<160x125xi32, #tpu.memory_space<vmem>>) target_semaphore(%run_scoped3A_72 : memref<!tpu.dma_semaphore, #tpu.memory_space<semaphore_mem>>)
      %dma_wait3A = arith.constant 0 : i32
      %dma_wait3A_81 = arith.constant 0 : i32
      %dma_wait3A_82 = tpu.memref_slice %arg3[%run_scoped3A, %arg1, %dma_wait3A, %dma_wait3A_81] : memref<2x16x160x125xi32, #tpu.memory_space<hbm>> -> memref<1x1x160x125xi32, #tpu.memory_space<hbm>>
      %dma_wait3A_83 = tpu.memref_squeeze %dma_wait3A_82 : memref<1x1x160x125xi32, #tpu.memory_space<hbm>> -> memref<160x125xi32, #tpu.memory_space<hbm>>
      %dma_wait3A_84 = arith.constant 0 : i32
      %dma_wait3A_85 = arith.constant 0 : i32
      %dma_wait3A_86 = tpu.memref_slice %arg3[%run_scoped3A, %arg1, %dma_wait3A_84, %dma_wait3A_85] : memref<2x16x160x125xi32, #tpu.memory_space<hbm>> -> memref<1x1x160x125xi32, #tpu.memory_space<hbm>>
      %dma_wait3A_87 = tpu.memref_squeeze %dma_wait3A_86 : memref<1x1x160x125xi32, #tpu.memory_space<hbm>> -> memref<160x125xi32, #tpu.memory_space<hbm>>
      tpu.wait_dma2 semaphore(%run_scoped3A_72 : memref<!tpu.dma_semaphore, #tpu.memory_space<semaphore_mem>>) src(%dma_wait3A_87 : memref<160x125xi32, #tpu.memory_space<hbm>>) dst(%arg6 : memref<160x125xi32, #tpu.memory_space<vmem>>)
      tpu.yield
    }) : () -> ()
    %run_scoped3A_0 = arith.constant 1 : i32
    "tpu.region"() ({
      %run_scoped3A_72 = tpu.sem_alloc : memref<!tpu.dma_semaphore, #tpu.memory_space<semaphore_mem>>
      %dma_start3A_73 = arith.constant 0 : i32
      %dma_start3A_74 = arith.constant 0 : i32
      %dma_start3A_75 = tpu.memref_slice %arg3[%run_scoped3A_0, %arg1, %dma_start3A_73, %dma_start3A_74] : memref<2x16x160x125xi32, #tpu.memory_space<hbm>> -> memref<1x1x160x125xi32, #tpu.memory_space<hbm>>
      %dma_start3A_76 = tpu.memref_squeeze %dma_start3A_75 : memref<1x1x160x125xi32, #tpu.memory_space<hbm>> -> memref<160x125xi32, #tpu.memory_space<hbm>>
      %dma_start3A_77 = arith.constant 0 : i32
      %dma_start3A_78 = arith.constant 0 : i32
      %dma_start3A_79 = tpu.memref_slice %arg3[%run_scoped3A_0, %arg1, %dma_start3A_77, %dma_start3A_78] : memref<2x16x160x125xi32, #tpu.memory_space<hbm>> -> memref<1x1x160x125xi32, #tpu.memory_space<hbm>>
      %dma_start3A_80 = tpu.memref_squeeze %dma_start3A_79 : memref<1x1x160x125xi32, #tpu.memory_space<hbm>> -> memref<160x125xi32, #tpu.memory_space<hbm>>
      tpu.enqueue_dma source(%dma_start3A_80 : memref<160x125xi32, #tpu.memory_space<hbm>>) target(%arg7 : memref<160x125xi32, #tpu.memory_space<vmem>>) target_semaphore(%run_scoped3A_72 : memref<!tpu.dma_semaphore, #tpu.memory_space<semaphore_mem>>)
      %dma_wait3A = arith.constant 0 : i32
      %dma_wait3A_81 = arith.constant 0 : i32
      %dma_wait3A_82 = tpu.memref_slice %arg3[%run_scoped3A_0, %arg1, %dma_wait3A, %dma_wait3A_81] : memref<2x16x160x125xi32, #tpu.memory_space<hbm>> -> memref<1x1x160x125xi32, #tpu.memory_space<hbm>>
      %dma_wait3A_83 = tpu.memref_squeeze %dma_wait3A_82 : memref<1x1x160x125xi32, #tpu.memory_space<hbm>> -> memref<160x125xi32, #tpu.memory_space<hbm>>
      %dma_wait3A_84 = arith.constant 0 : i32
      %dma_wait3A_85 = arith.constant 0 : i32
      %dma_wait3A_86 = tpu.memref_slice %arg3[%run_scoped3A_0, %arg1, %dma_wait3A_84, %dma_wait3A_85] : memref<2x16x160x125xi32, #tpu.memory_space<hbm>> -> memref<1x1x160x125xi32, #tpu.memory_space<hbm>>
      %dma_wait3A_87 = tpu.memref_squeeze %dma_wait3A_86 : memref<1x1x160x125xi32, #tpu.memory_space<hbm>> -> memref<160x125xi32, #tpu.memory_space<hbm>>
      tpu.wait_dma2 semaphore(%run_scoped3A_72 : memref<!tpu.dma_semaphore, #tpu.memory_space<semaphore_mem>>) src(%dma_wait3A_87 : memref<160x125xi32, #tpu.memory_space<hbm>>) dst(%arg7 : memref<160x125xi32, #tpu.memory_space<vmem>>)
      tpu.yield
    }) : () -> ()
    "tpu.region"() ({
      %run_scoped3A_72 = tpu.sem_alloc : memref<!tpu.dma_semaphore, #tpu.memory_space<semaphore_mem>>
      tpu.enqueue_dma source(%arg4 : memref<128x64xf32, #tpu.memory_space<hbm>>) target(%arg12 : memref<128x64xf32, #tpu.memory_space<vmem>>) target_semaphore(%run_scoped3A_72 : memref<!tpu.dma_semaphore, #tpu.memory_space<semaphore_mem>>)
      tpu.wait_dma2 semaphore(%run_scoped3A_72 : memref<!tpu.dma_semaphore, #tpu.memory_space<semaphore_mem>>) src(%arg4 : memref<128x64xf32, #tpu.memory_space<hbm>>) dst(%arg12 : memref<128x64xf32, #tpu.memory_space<vmem>>)
      tpu.yield
    }) : () -> ()
    %mul3A = arith.constant 640 : i32
    %mul3A_1 = arith.muli %arg1, %mul3A : i32
    %add3A = arith.constant 0 : i32
    %add3A_2 = arith.addi %mul3A_1, %add3A : i32
    "tpu.region"() ({
      %run_scoped3A_72 = tpu.sem_alloc : memref<!tpu.dma_semaphore, #tpu.memory_space<semaphore_mem>>
      %dma_start3A_73 = arith.constant 0 : i32
      %dma_start3A_74 = tpu.memref_slice %arg13[%add3A_2, %dma_start3A_73] : memref<10240x64xf32, #tpu.memory_space<vmem_shared>> -> memref<128x64xf32, #tpu.memory_space<vmem_shared>>
      %dma_start3A_75 = arith.constant 0 : i32
      %dma_start3A_76 = tpu.memref_slice %arg13[%add3A_2, %dma_start3A_75] : memref<10240x64xf32, #tpu.memory_space<vmem_shared>> -> memref<128x64xf32, #tpu.memory_space<vmem_shared>>
      tpu.enqueue_dma source(%arg12 : memref<128x64xf32, #tpu.memory_space<vmem>>) target(%dma_start3A_76 : memref<128x64xf32, #tpu.memory_space<vmem_shared>>) target_semaphore(%run_scoped3A_72 : memref<!tpu.dma_semaphore, #tpu.memory_space<semaphore_mem>>)
      %dma_wait3A = arith.constant 0 : i32
      %dma_wait3A_77 = tpu.memref_slice %arg13[%add3A_2, %dma_wait3A] : memref<10240x64xf32, #tpu.memory_space<vmem_shared>> -> memref<128x64xf32, #tpu.memory_space<vmem_shared>>
      %dma_wait3A_78 = arith.constant 0 : i32
      %dma_wait3A_79 = tpu.memref_slice %arg13[%add3A_2, %dma_wait3A_78] : memref<10240x64xf32, #tpu.memory_space<vmem_shared>> -> memref<128x64xf32, #tpu.memory_space<vmem_shared>>
      tpu.wait_dma2 semaphore(%run_scoped3A_72 : memref<!tpu.dma_semaphore, #tpu.memory_space<semaphore_mem>>) src(%arg12 : memref<128x64xf32, #tpu.memory_space<vmem>>) dst(%dma_wait3A_79 : memref<128x64xf32, #tpu.memory_space<vmem_shared>>)
      tpu.yield
    }) : () -> ()
    %mul3A_3 = arith.constant 640 : i32
    %mul3A_4 = arith.muli %arg1, %mul3A_3 : i32
    %add3A_5 = arith.constant 128 : i32
    %add3A_6 = arith.addi %mul3A_4, %add3A_5 : i32
    "tpu.region"() ({
      %run_scoped3A_72 = tpu.sem_alloc : memref<!tpu.dma_semaphore, #tpu.memory_space<semaphore_mem>>
      %dma_start3A_73 = arith.constant 0 : i32
      %dma_start3A_74 = tpu.memref_slice %arg13[%add3A_6, %dma_start3A_73] : memref<10240x64xf32, #tpu.memory_space<vmem_shared>> -> memref<128x64xf32, #tpu.memory_space<vmem_shared>>
      %dma_start3A_75 = arith.constant 0 : i32
      %dma_start3A_76 = tpu.memref_slice %arg13[%add3A_6, %dma_start3A_75] : memref<10240x64xf32, #tpu.memory_space<vmem_shared>> -> memref<128x64xf32, #tpu.memory_space<vmem_shared>>
      tpu.enqueue_dma source(%arg12 : memref<128x64xf32, #tpu.memory_space<vmem>>) target(%dma_start3A_76 : memref<128x64xf32, #tpu.memory_space<vmem_shared>>) target_semaphore(%run_scoped3A_72 : memref<!tpu.dma_semaphore, #tpu.memory_space<semaphore_mem>>)
      %dma_wait3A = arith.constant 0 : i32
      %dma_wait3A_77 = tpu.memref_slice %arg13[%add3A_6, %dma_wait3A] : memref<10240x64xf32, #tpu.memory_space<vmem_shared>> -> memref<128x64xf32, #tpu.memory_space<vmem_shared>>
      %dma_wait3A_78 = arith.constant 0 : i32
      %dma_wait3A_79 = tpu.memref_slice %arg13[%add3A_6, %dma_wait3A_78] : memref<10240x64xf32, #tpu.memory_space<vmem_shared>> -> memref<128x64xf32, #tpu.memory_space<vmem_shared>>
      tpu.wait_dma2 semaphore(%run_scoped3A_72 : memref<!tpu.dma_semaphore, #tpu.memory_space<semaphore_mem>>) src(%arg12 : memref<128x64xf32, #tpu.memory_space<vmem>>) dst(%dma_wait3A_79 : memref<128x64xf32, #tpu.memory_space<vmem_shared>>)
      tpu.yield
    }) : () -> ()
    %mul3A_7 = arith.constant 640 : i32
    %mul3A_8 = arith.muli %arg1, %mul3A_7 : i32
    %add3A_9 = arith.constant 256 : i32
    %add3A_10 = arith.addi %mul3A_8, %add3A_9 : i32
    "tpu.region"() ({
      %run_scoped3A_72 = tpu.sem_alloc : memref<!tpu.dma_semaphore, #tpu.memory_space<semaphore_mem>>
      %dma_start3A_73 = arith.constant 0 : i32
      %dma_start3A_74 = tpu.memref_slice %arg13[%add3A_10, %dma_start3A_73] : memref<10240x64xf32, #tpu.memory_space<vmem_shared>> -> memref<128x64xf32, #tpu.memory_space<vmem_shared>>
      %dma_start3A_75 = arith.constant 0 : i32
      %dma_start3A_76 = tpu.memref_slice %arg13[%add3A_10, %dma_start3A_75] : memref<10240x64xf32, #tpu.memory_space<vmem_shared>> -> memref<128x64xf32, #tpu.memory_space<vmem_shared>>
      tpu.enqueue_dma source(%arg12 : memref<128x64xf32, #tpu.memory_space<vmem>>) target(%dma_start3A_76 : memref<128x64xf32, #tpu.memory_space<vmem_shared>>) target_semaphore(%run_scoped3A_72 : memref<!tpu.dma_semaphore, #tpu.memory_space<semaphore_mem>>)
      %dma_wait3A = arith.constant 0 : i32
      %dma_wait3A_77 = tpu.memref_slice %arg13[%add3A_10, %dma_wait3A] : memref<10240x64xf32, #tpu.memory_space<vmem_shared>> -> memref<128x64xf32, #tpu.memory_space<vmem_shared>>
      %dma_wait3A_78 = arith.constant 0 : i32
      %dma_wait3A_79 = tpu.memref_slice %arg13[%add3A_10, %dma_wait3A_78] : memref<10240x64xf32, #tpu.memory_space<vmem_shared>> -> memref<128x64xf32, #tpu.memory_space<vmem_shared>>
      tpu.wait_dma2 semaphore(%run_scoped3A_72 : memref<!tpu.dma_semaphore, #tpu.memory_space<semaphore_mem>>) src(%arg12 : memref<128x64xf32, #tpu.memory_space<vmem>>) dst(%dma_wait3A_79 : memref<128x64xf32, #tpu.memory_space<vmem_shared>>)
      tpu.yield
    }) : () -> ()
    %mul3A_11 = arith.constant 640 : i32
    %mul3A_12 = arith.muli %arg1, %mul3A_11 : i32
    %add3A_13 = arith.constant 384 : i32
    %add3A_14 = arith.addi %mul3A_12, %add3A_13 : i32
    "tpu.region"() ({
      %run_scoped3A_72 = tpu.sem_alloc : memref<!tpu.dma_semaphore, #tpu.memory_space<semaphore_mem>>
      %dma_start3A_73 = arith.constant 0 : i32
      %dma_start3A_74 = tpu.memref_slice %arg13[%add3A_14, %dma_start3A_73] : memref<10240x64xf32, #tpu.memory_space<vmem_shared>> -> memref<128x64xf32, #tpu.memory_space<vmem_shared>>
      %dma_start3A_75 = arith.constant 0 : i32
      %dma_start3A_76 = tpu.memref_slice %arg13[%add3A_14, %dma_start3A_75] : memref<10240x64xf32, #tpu.memory_space<vmem_shared>> -> memref<128x64xf32, #tpu.memory_space<vmem_shared>>
      tpu.enqueue_dma source(%arg12 : memref<128x64xf32, #tpu.memory_space<vmem>>) target(%dma_start3A_76 : memref<128x64xf32, #tpu.memory_space<vmem_shared>>) target_semaphore(%run_scoped3A_72 : memref<!tpu.dma_semaphore, #tpu.memory_space<semaphore_mem>>)
      %dma_wait3A = arith.constant 0 : i32
      %dma_wait3A_77 = tpu.memref_slice %arg13[%add3A_14, %dma_wait3A] : memref<10240x64xf32, #tpu.memory_space<vmem_shared>> -> memref<128x64xf32, #tpu.memory_space<vmem_shared>>
      %dma_wait3A_78 = arith.constant 0 : i32
      %dma_wait3A_79 = tpu.memref_slice %arg13[%add3A_14, %dma_wait3A_78] : memref<10240x64xf32, #tpu.memory_space<vmem_shared>> -> memref<128x64xf32, #tpu.memory_space<vmem_shared>>
      tpu.wait_dma2 semaphore(%run_scoped3A_72 : memref<!tpu.dma_semaphore, #tpu.memory_space<semaphore_mem>>) src(%arg12 : memref<128x64xf32, #tpu.memory_space<vmem>>) dst(%dma_wait3A_79 : memref<128x64xf32, #tpu.memory_space<vmem_shared>>)
      tpu.yield
    }) : () -> ()
    %mul3A_15 = arith.constant 640 : i32
    %mul3A_16 = arith.muli %arg1, %mul3A_15 : i32
    %add3A_17 = arith.constant 512 : i32
    %add3A_18 = arith.addi %mul3A_16, %add3A_17 : i32
    "tpu.region"() ({
      %run_scoped3A_72 = tpu.sem_alloc : memref<!tpu.dma_semaphore, #tpu.memory_space<semaphore_mem>>
      %dma_start3A_73 = arith.constant 0 : i32
      %dma_start3A_74 = tpu.memref_slice %arg13[%add3A_18, %dma_start3A_73] : memref<10240x64xf32, #tpu.memory_space<vmem_shared>> -> memref<128x64xf32, #tpu.memory_space<vmem_shared>>
      %dma_start3A_75 = arith.constant 0 : i32
      %dma_start3A_76 = tpu.memref_slice %arg13[%add3A_18, %dma_start3A_75] : memref<10240x64xf32, #tpu.memory_space<vmem_shared>> -> memref<128x64xf32, #tpu.memory_space<vmem_shared>>
      tpu.enqueue_dma source(%arg12 : memref<128x64xf32, #tpu.memory_space<vmem>>) target(%dma_start3A_76 : memref<128x64xf32, #tpu.memory_space<vmem_shared>>) target_semaphore(%run_scoped3A_72 : memref<!tpu.dma_semaphore, #tpu.memory_space<semaphore_mem>>)
      %dma_wait3A = arith.constant 0 : i32
      %dma_wait3A_77 = tpu.memref_slice %arg13[%add3A_18, %dma_wait3A] : memref<10240x64xf32, #tpu.memory_space<vmem_shared>> -> memref<128x64xf32, #tpu.memory_space<vmem_shared>>
      %dma_wait3A_78 = arith.constant 0 : i32
      %dma_wait3A_79 = tpu.memref_slice %arg13[%add3A_18, %dma_wait3A_78] : memref<10240x64xf32, #tpu.memory_space<vmem_shared>> -> memref<128x64xf32, #tpu.memory_space<vmem_shared>>
      tpu.wait_dma2 semaphore(%run_scoped3A_72 : memref<!tpu.dma_semaphore, #tpu.memory_space<semaphore_mem>>) src(%arg12 : memref<128x64xf32, #tpu.memory_space<vmem>>) dst(%dma_wait3A_79 : memref<128x64xf32, #tpu.memory_space<vmem_shared>>)
      tpu.yield
    }) : () -> ()
    %barrier3A = arith.constant 0 : index
    tpu.barrier barrier_id(%barrier3A)
    %dma_start3A = arith.constant 0 : i32
    %dma_start3A_19 = arith.constant 0 : i32
    %dma_start3A_20 = tpu.memref_slice %arg6[%dma_start3A, %dma_start3A_19] : memref<160x125xi32, #tpu.memory_space<vmem>> -> memref<1x125xi32, #tpu.memory_space<vmem>>
    %dma_start3A_21 = tpu.memref_squeeze %dma_start3A_20 : memref<1x125xi32, #tpu.memory_space<vmem>> -> memref<125xi32, #tpu.memory_space<vmem>>
    %dma_start3A_22 = arith.constant 0 : i32
    %dma_start3A_23 = arith.constant 0 : i32
    %dma_start3A_24 = tpu.memref_slice %arg2[%arg0, %dma_start3A_22, %dma_start3A_23] : memref<2x10000x64xf32, #tpu.memory_space<hbm>> -> memref<1x10000x64xf32, #tpu.memory_space<hbm>>
    %dma_start3A_25 = tpu.memref_squeeze %dma_start3A_24 : memref<1x10000x64xf32, #tpu.memory_space<hbm>> -> memref<10000x64xf32, #tpu.memory_space<hbm>>
    %dma_start3A_26 = arith.constant 0 : i32
    %dma_start3A_27 = arith.constant 0 : i32
    %dma_start3A_28 = tpu.memref_slice %dma_start3A_25[%dma_start3A_26, %dma_start3A_27] : memref<10000x64xf32, #tpu.memory_space<hbm>> -> memref<10000x64xf32, #tpu.memory_space<hbm>>
    tpu.enqueue_indirect_dma source(%dma_start3A_28 : memref<10000x64xf32, #tpu.memory_space<hbm>>) target(%arg8 : memref<125x64xf32, #tpu.memory_space<vmem>>) offsets(%dma_start3A_21 : memref<125xi32, #tpu.memory_space<vmem>>) semaphore(%arg14 : memref<!tpu.dma_semaphore, #tpu.memory_space<semaphore_mem>>)
    %dma_start3A_29 = arith.constant 1 : i32
    %dma_start3A_30 = arith.constant 0 : i32
    %dma_start3A_31 = tpu.memref_slice %arg6[%dma_start3A_29, %dma_start3A_30] : memref<160x125xi32, #tpu.memory_space<vmem>> -> memref<1x125xi32, #tpu.memory_space<vmem>>
    %dma_start3A_32 = tpu.memref_squeeze %dma_start3A_31 : memref<1x125xi32, #tpu.memory_space<vmem>> -> memref<125xi32, #tpu.memory_space<vmem>>
    %dma_start3A_33 = arith.constant 0 : i32
    %dma_start3A_34 = arith.constant 0 : i32
    %dma_start3A_35 = tpu.memref_slice %arg2[%arg0, %dma_start3A_33, %dma_start3A_34] : memref<2x10000x64xf32, #tpu.memory_space<hbm>> -> memref<1x10000x64xf32, #tpu.memory_space<hbm>>
    %dma_start3A_36 = tpu.memref_squeeze %dma_start3A_35 : memref<1x10000x64xf32, #tpu.memory_space<hbm>> -> memref<10000x64xf32, #tpu.memory_space<hbm>>
    %dma_start3A_37 = arith.constant 0 : i32
    %dma_start3A_38 = arith.constant 0 : i32
    %dma_start3A_39 = tpu.memref_slice %dma_start3A_36[%dma_start3A_37, %dma_start3A_38] : memref<10000x64xf32, #tpu.memory_space<hbm>> -> memref<10000x64xf32, #tpu.memory_space<hbm>>
    tpu.enqueue_indirect_dma source(%dma_start3A_39 : memref<10000x64xf32, #tpu.memory_space<hbm>>) target(%arg9 : memref<125x64xf32, #tpu.memory_space<vmem>>) offsets(%dma_start3A_32 : memref<125xi32, #tpu.memory_space<vmem>>) semaphore(%arg15 : memref<!tpu.dma_semaphore, #tpu.memory_space<semaphore_mem>>)
    %dma_start3A_40 = arith.constant 2 : i32
    %dma_start3A_41 = arith.constant 0 : i32
    %dma_start3A_42 = tpu.memref_slice %arg6[%dma_start3A_40, %dma_start3A_41] : memref<160x125xi32, #tpu.memory_space<vmem>> -> memref<1x125xi32, #tpu.memory_space<vmem>>
    %dma_start3A_43 = tpu.memref_squeeze %dma_start3A_42 : memref<1x125xi32, #tpu.memory_space<vmem>> -> memref<125xi32, #tpu.memory_space<vmem>>
    %dma_start3A_44 = arith.constant 0 : i32
    %dma_start3A_45 = arith.constant 0 : i32
    %dma_start3A_46 = tpu.memref_slice %arg2[%arg0, %dma_start3A_44, %dma_start3A_45] : memref<2x10000x64xf32, #tpu.memory_space<hbm>> -> memref<1x10000x64xf32, #tpu.memory_space<hbm>>
    %dma_start3A_47 = tpu.memref_squeeze %dma_start3A_46 : memref<1x10000x64xf32, #tpu.memory_space<hbm>> -> memref<10000x64xf32, #tpu.memory_space<hbm>>
    %dma_start3A_48 = arith.constant 0 : i32
    %dma_start3A_49 = arith.constant 0 : i32
    %dma_start3A_50 = tpu.memref_slice %dma_start3A_47[%dma_start3A_48, %dma_start3A_49] : memref<10000x64xf32, #tpu.memory_space<hbm>> -> memref<10000x64xf32, #tpu.memory_space<hbm>>
    tpu.enqueue_indirect_dma source(%dma_start3A_50 : memref<10000x64xf32, #tpu.memory_space<hbm>>) target(%arg10 : memref<125x64xf32, #tpu.memory_space<vmem>>) offsets(%dma_start3A_43 : memref<125xi32, #tpu.memory_space<vmem>>) semaphore(%arg16 : memref<!tpu.dma_semaphore, #tpu.memory_space<semaphore_mem>>)
    %dma_start3A_51 = arith.constant 3 : i32
    %dma_start3A_52 = arith.constant 0 : i32
    %dma_start3A_53 = tpu.memref_slice %arg6[%dma_start3A_51, %dma_start3A_52] : memref<160x125xi32, #tpu.memory_space<vmem>> -> memref<1x125xi32, #tpu.memory_space<vmem>>
    %dma_start3A_54 = tpu.memref_squeeze %dma_start3A_53 : memref<1x125xi32, #tpu.memory_space<vmem>> -> memref<125xi32, #tpu.memory_space<vmem>>
    %dma_start3A_55 = arith.constant 0 : i32
    %dma_start3A_56 = arith.constant 0 : i32
    %dma_start3A_57 = tpu.memref_slice %arg2[%arg0, %dma_start3A_55, %dma_start3A_56] : memref<2x10000x64xf32, #tpu.memory_space<hbm>> -> memref<1x10000x64xf32, #tpu.memory_space<hbm>>
    %dma_start3A_58 = tpu.memref_squeeze %dma_start3A_57 : memref<1x10000x64xf32, #tpu.memory_space<hbm>> -> memref<10000x64xf32, #tpu.memory_space<hbm>>
    %dma_start3A_59 = arith.constant 0 : i32
    %dma_start3A_60 = arith.constant 0 : i32
    %dma_start3A_61 = tpu.memref_slice %dma_start3A_58[%dma_start3A_59, %dma_start3A_60] : memref<10000x64xf32, #tpu.memory_space<hbm>> -> memref<10000x64xf32, #tpu.memory_space<hbm>>
    tpu.enqueue_indirect_dma source(%dma_start3A_61 : memref<10000x64xf32, #tpu.memory_space<hbm>>) target(%arg11 : memref<125x64xf32, #tpu.memory_space<vmem>>) offsets(%dma_start3A_54 : memref<125xi32, #tpu.memory_space<vmem>>) semaphore(%arg17 : memref<!tpu.dma_semaphore, #tpu.memory_space<semaphore_mem>>)
    %scan3A = arith.constant 0 : i32
    %scan3A_62 = arith.constant 0 : i32
    %scan3A_63 = arith.constant 40 : i32
    %scan3A_64 = arith.addi %scan3A_62, %scan3A_63 : i32
    %scan3A_65 = arith.constant 1 : i32
    scf.for %scan3A_72 = %scan3A_62 to %scan3A_64 step %scan3A_65  : i32 {
      %mul3A_73 = arith.constant 4 : i32
      %mul3A_74 = arith.muli %scan3A_72, %mul3A_73 : i32
      %add3A_75 = arith.constant 0 : i32
      %add3A_76 = arith.addi %mul3A_74, %add3A_75 : i32
      %dma_wait3A = arith.constant 0 : i32
      %dma_wait3A_77 = tpu.memref_slice %arg6[%add3A_76, %dma_wait3A] : memref<160x125xi32, #tpu.memory_space<vmem>> -> memref<1x125xi32, #tpu.memory_space<vmem>>
      %dma_wait3A_78 = tpu.memref_squeeze %dma_wait3A_77 : memref<1x125xi32, #tpu.memory_space<vmem>> -> memref<125xi32, #tpu.memory_space<vmem>>
      %dma_wait3A_79 = arith.constant 0 : i32
      %dma_wait3A_80 = arith.constant 0 : i32
      %dma_wait3A_81 = tpu.memref_slice %arg2[%arg0, %dma_wait3A_79, %dma_wait3A_80] : memref<2x10000x64xf32, #tpu.memory_space<hbm>> -> memref<1x10000x64xf32, #tpu.memory_space<hbm>>
      %dma_wait3A_82 = tpu.memref_squeeze %dma_wait3A_81 : memref<1x10000x64xf32, #tpu.memory_space<hbm>> -> memref<10000x64xf32, #tpu.memory_space<hbm>>
      %dma_wait3A_83 = arith.constant 0 : i32
      %dma_wait3A_84 = arith.constant 0 : i32
      %dma_wait3A_85 = tpu.memref_slice %dma_wait3A_82[%dma_wait3A_83, %dma_wait3A_84] : memref<10000x64xf32, #tpu.memory_space<hbm>> -> memref<10000x64xf32, #tpu.memory_space<hbm>>
      tpu.wait_indirect_dma semaphore(%arg14 : memref<!tpu.dma_semaphore, #tpu.memory_space<semaphore_mem>>) src(%dma_wait3A_85 : memref<10000x64xf32, #tpu.memory_space<hbm>>) dst(%arg8 : memref<125x64xf32, #tpu.memory_space<vmem>>)
      %dma_start3A_86 = arith.constant 0 : i32
      %dma_start3A_87 = tpu.memref_slice %arg7[%add3A_76, %dma_start3A_86] : memref<160x125xi32, #tpu.memory_space<vmem>> -> memref<1x125xi32, #tpu.memory_space<vmem>>
      %dma_start3A_88 = tpu.memref_squeeze %dma_start3A_87 : memref<1x125xi32, #tpu.memory_space<vmem>> -> memref<125xi32, #tpu.memory_space<vmem>>
      %dma_start3A_89 = arith.constant 0 : i32
      %dma_start3A_90 = arith.constant 0 : i32
      %dma_start3A_91 = tpu.memref_slice %arg13[%dma_start3A_89, %dma_start3A_90] : memref<10240x64xf32, #tpu.memory_space<vmem_shared>> -> memref<10240x64xf32, #tpu.memory_space<vmem_shared>>
      tpu.enqueue_indirect_dma source(%arg8 : memref<125x64xf32, #tpu.memory_space<vmem>>) target(%dma_start3A_91 : memref<10240x64xf32, #tpu.memory_space<vmem_shared>>) offsets(%dma_start3A_88 : memref<125xi32, #tpu.memory_space<vmem>>) semaphore(%arg18 : memref<!tpu.dma_semaphore, #tpu.memory_space<semaphore_mem>>) {add = true}
      %add3A_92 = arith.constant 1 : i32
      %add3A_93 = arith.addi %mul3A_74, %add3A_92 : i32
      %dma_wait3A_94 = arith.constant 0 : i32
      %dma_wait3A_95 = tpu.memref_slice %arg6[%add3A_93, %dma_wait3A_94] : memref<160x125xi32, #tpu.memory_space<vmem>> -> memref<1x125xi32, #tpu.memory_space<vmem>>
      %dma_wait3A_96 = tpu.memref_squeeze %dma_wait3A_95 : memref<1x125xi32, #tpu.memory_space<vmem>> -> memref<125xi32, #tpu.memory_space<vmem>>
      %dma_wait3A_97 = arith.constant 0 : i32
      %dma_wait3A_98 = arith.constant 0 : i32
      %dma_wait3A_99 = tpu.memref_slice %arg2[%arg0, %dma_wait3A_97, %dma_wait3A_98] : memref<2x10000x64xf32, #tpu.memory_space<hbm>> -> memref<1x10000x64xf32, #tpu.memory_space<hbm>>
      %dma_wait3A_100 = tpu.memref_squeeze %dma_wait3A_99 : memref<1x10000x64xf32, #tpu.memory_space<hbm>> -> memref<10000x64xf32, #tpu.memory_space<hbm>>
      %dma_wait3A_101 = arith.constant 0 : i32
      %dma_wait3A_102 = arith.constant 0 : i32
      %dma_wait3A_103 = tpu.memref_slice %dma_wait3A_100[%dma_wait3A_101, %dma_wait3A_102] : memref<10000x64xf32, #tpu.memory_space<hbm>> -> memref<10000x64xf32, #tpu.memory_space<hbm>>
      tpu.wait_indirect_dma semaphore(%arg15 : memref<!tpu.dma_semaphore, #tpu.memory_space<semaphore_mem>>) src(%dma_wait3A_103 : memref<10000x64xf32, #tpu.memory_space<hbm>>) dst(%arg9 : memref<125x64xf32, #tpu.memory_space<vmem>>)
      %dma_start3A_104 = arith.constant 0 : i32
      %dma_start3A_105 = tpu.memref_slice %arg7[%add3A_93, %dma_start3A_104] : memref<160x125xi32, #tpu.memory_space<vmem>> -> memref<1x125xi32, #tpu.memory_space<vmem>>
      %dma_start3A_106 = tpu.memref_squeeze %dma_start3A_105 : memref<1x125xi32, #tpu.memory_space<vmem>> -> memref<125xi32, #tpu.memory_space<vmem>>
      %dma_start3A_107 = arith.constant 0 : i32
      %dma_start3A_108 = arith.constant 0 : i32
      %dma_start3A_109 = tpu.memref_slice %arg13[%dma_start3A_107, %dma_start3A_108] : memref<10240x64xf32, #tpu.memory_space<vmem_shared>> -> memref<10240x64xf32, #tpu.memory_space<vmem_shared>>
      tpu.enqueue_indirect_dma source(%arg9 : memref<125x64xf32, #tpu.memory_space<vmem>>) target(%dma_start3A_109 : memref<10240x64xf32, #tpu.memory_space<vmem_shared>>) offsets(%dma_start3A_106 : memref<125xi32, #tpu.memory_space<vmem>>) semaphore(%arg19 : memref<!tpu.dma_semaphore, #tpu.memory_space<semaphore_mem>>) {add = true}
      %add3A_110 = arith.constant 2 : i32
      %add3A_111 = arith.addi %mul3A_74, %add3A_110 : i32
      %dma_wait3A_112 = arith.constant 0 : i32
      %dma_wait3A_113 = tpu.memref_slice %arg6[%add3A_111, %dma_wait3A_112] : memref<160x125xi32, #tpu.memory_space<vmem>> -> memref<1x125xi32, #tpu.memory_space<vmem>>
      %dma_wait3A_114 = tpu.memref_squeeze %dma_wait3A_113 : memref<1x125xi32, #tpu.memory_space<vmem>> -> memref<125xi32, #tpu.memory_space<vmem>>
      %dma_wait3A_115 = arith.constant 0 : i32
      %dma_wait3A_116 = arith.constant 0 : i32
      %dma_wait3A_117 = tpu.memref_slice %arg2[%arg0, %dma_wait3A_115, %dma_wait3A_116] : memref<2x10000x64xf32, #tpu.memory_space<hbm>> -> memref<1x10000x64xf32, #tpu.memory_space<hbm>>
      %dma_wait3A_118 = tpu.memref_squeeze %dma_wait3A_117 : memref<1x10000x64xf32, #tpu.memory_space<hbm>> -> memref<10000x64xf32, #tpu.memory_space<hbm>>
      %dma_wait3A_119 = arith.constant 0 : i32
      %dma_wait3A_120 = arith.constant 0 : i32
      %dma_wait3A_121 = tpu.memref_slice %dma_wait3A_118[%dma_wait3A_119, %dma_wait3A_120] : memref<10000x64xf32, #tpu.memory_space<hbm>> -> memref<10000x64xf32, #tpu.memory_space<hbm>>
      tpu.wait_indirect_dma semaphore(%arg16 : memref<!tpu.dma_semaphore, #tpu.memory_space<semaphore_mem>>) src(%dma_wait3A_121 : memref<10000x64xf32, #tpu.memory_space<hbm>>) dst(%arg10 : memref<125x64xf32, #tpu.memory_space<vmem>>)
      %dma_start3A_122 = arith.constant 0 : i32
      %dma_start3A_123 = tpu.memref_slice %arg7[%add3A_111, %dma_start3A_122] : memref<160x125xi32, #tpu.memory_space<vmem>> -> memref<1x125xi32, #tpu.memory_space<vmem>>
      %dma_start3A_124 = tpu.memref_squeeze %dma_start3A_123 : memref<1x125xi32, #tpu.memory_space<vmem>> -> memref<125xi32, #tpu.memory_space<vmem>>
      %dma_start3A_125 = arith.constant 0 : i32
      %dma_start3A_126 = arith.constant 0 : i32
      %dma_start3A_127 = tpu.memref_slice %arg13[%dma_start3A_125, %dma_start3A_126] : memref<10240x64xf32, #tpu.memory_space<vmem_shared>> -> memref<10240x64xf32, #tpu.memory_space<vmem_shared>>
      tpu.enqueue_indirect_dma source(%arg10 : memref<125x64xf32, #tpu.memory_space<vmem>>) target(%dma_start3A_127 : memref<10240x64xf32, #tpu.memory_space<vmem_shared>>) offsets(%dma_start3A_124 : memref<125xi32, #tpu.memory_space<vmem>>) semaphore(%arg20 : memref<!tpu.dma_semaphore, #tpu.memory_space<semaphore_mem>>) {add = true}
      %add3A_128 = arith.constant 3 : i32
      %add3A_129 = arith.addi %mul3A_74, %add3A_128 : i32
      %dma_wait3A_130 = arith.constant 0 : i32
      %dma_wait3A_131 = tpu.memref_slice %arg6[%add3A_129, %dma_wait3A_130] : memref<160x125xi32, #tpu.memory_space<vmem>> -> memref<1x125xi32, #tpu.memory_space<vmem>>
      %dma_wait3A_132 = tpu.memref_squeeze %dma_wait3A_131 : memref<1x125xi32, #tpu.memory_space<vmem>> -> memref<125xi32, #tpu.memory_space<vmem>>
      %dma_wait3A_133 = arith.constant 0 : i32
      %dma_wait3A_134 = arith.constant 0 : i32
      %dma_wait3A_135 = tpu.memref_slice %arg2[%arg0, %dma_wait3A_133, %dma_wait3A_134] : memref<2x10000x64xf32, #tpu.memory_space<hbm>> -> memref<1x10000x64xf32, #tpu.memory_space<hbm>>
      %dma_wait3A_136 = tpu.memref_squeeze %dma_wait3A_135 : memref<1x10000x64xf32, #tpu.memory_space<hbm>> -> memref<10000x64xf32, #tpu.memory_space<hbm>>
      %dma_wait3A_137 = arith.constant 0 : i32
      %dma_wait3A_138 = arith.constant 0 : i32
      %dma_wait3A_139 = tpu.memref_slice %dma_wait3A_136[%dma_wait3A_137, %dma_wait3A_138] : memref<10000x64xf32, #tpu.memory_space<hbm>> -> memref<10000x64xf32, #tpu.memory_space<hbm>>
      tpu.wait_indirect_dma semaphore(%arg17 : memref<!tpu.dma_semaphore, #tpu.memory_space<semaphore_mem>>) src(%dma_wait3A_139 : memref<10000x64xf32, #tpu.memory_space<hbm>>) dst(%arg11 : memref<125x64xf32, #tpu.memory_space<vmem>>)
      %dma_start3A_140 = arith.constant 0 : i32
      %dma_start3A_141 = tpu.memref_slice %arg7[%add3A_129, %dma_start3A_140] : memref<160x125xi32, #tpu.memory_space<vmem>> -> memref<1x125xi32, #tpu.memory_space<vmem>>
      %dma_start3A_142 = tpu.memref_squeeze %dma_start3A_141 : memref<1x125xi32, #tpu.memory_space<vmem>> -> memref<125xi32, #tpu.memory_space<vmem>>
      %dma_start3A_143 = arith.constant 0 : i32
      %dma_start3A_144 = arith.constant 0 : i32
      %dma_start3A_145 = tpu.memref_slice %arg13[%dma_start3A_143, %dma_start3A_144] : memref<10240x64xf32, #tpu.memory_space<vmem_shared>> -> memref<10240x64xf32, #tpu.memory_space<vmem_shared>>
      tpu.enqueue_indirect_dma source(%arg11 : memref<125x64xf32, #tpu.memory_space<vmem>>) target(%dma_start3A_145 : memref<10240x64xf32, #tpu.memory_space<vmem_shared>>) offsets(%dma_start3A_142 : memref<125xi32, #tpu.memory_space<vmem>>) semaphore(%arg21 : memref<!tpu.dma_semaphore, #tpu.memory_space<semaphore_mem>>) {add = true}
      %add3A_146 = arith.constant 0 : i32
      %add3A_147 = arith.addi %mul3A_74, %add3A_146 : i32
      %dma_wait3A_148 = arith.constant 0 : i32
      %dma_wait3A_149 = tpu.memref_slice %arg7[%add3A_147, %dma_wait3A_148] : memref<160x125xi32, #tpu.memory_space<vmem>> -> memref<1x125xi32, #tpu.memory_space<vmem>>
      %dma_wait3A_150 = tpu.memref_squeeze %dma_wait3A_149 : memref<1x125xi32, #tpu.memory_space<vmem>> -> memref<125xi32, #tpu.memory_space<vmem>>
      %dma_wait3A_151 = arith.constant 0 : i32
      %dma_wait3A_152 = arith.constant 0 : i32
      %dma_wait3A_153 = tpu.memref_slice %arg13[%dma_wait3A_151, %dma_wait3A_152] : memref<10240x64xf32, #tpu.memory_space<vmem_shared>> -> memref<10240x64xf32, #tpu.memory_space<vmem_shared>>
      tpu.wait_indirect_dma semaphore(%arg18 : memref<!tpu.dma_semaphore, #tpu.memory_space<semaphore_mem>>) src(%arg8 : memref<125x64xf32, #tpu.memory_space<vmem>>) dst(%dma_wait3A_153 : memref<10240x64xf32, #tpu.memory_space<vmem_shared>>)
      %add3A_154 = arith.constant 4 : i32
      %add3A_155 = arith.addi %add3A_147, %add3A_154 : i32
      %lt3A = arith.constant 160 : i32
      %lt3A_156 = arith.cmpi slt, %add3A_155, %lt3A : i32
      %convert_element_type3A = arith.extui %lt3A_156 : i1 to i32
      %cond3A = arith.constant 0 : i32
      %cond3A_157 = arith.cmpi ne, %convert_element_type3A, %cond3A : i32
      scf.if %cond3A_157 {
        %add3A_203 = arith.constant 4 : i32
        %add3A_204 = arith.addi %add3A_147, %add3A_203 : i32
        %dma_start3A_205 = arith.constant 0 : i32
        %dma_start3A_206 = tpu.memref_slice %arg6[%add3A_204, %dma_start3A_205] : memref<160x125xi32, #tpu.memory_space<vmem>> -> memref<1x125xi32, #tpu.memory_space<vmem>>
        %dma_start3A_207 = tpu.memref_squeeze %dma_start3A_206 : memref<1x125xi32, #tpu.memory_space<vmem>> -> memref<125xi32, #tpu.memory_space<vmem>>
        %dma_start3A_208 = arith.constant 0 : i32
        %dma_start3A_209 = arith.constant 0 : i32
        %dma_start3A_210 = tpu.memref_slice %arg2[%arg0, %dma_start3A_208, %dma_start3A_209] : memref<2x10000x64xf32, #tpu.memory_space<hbm>> -> memref<1x10000x64xf32, #tpu.memory_space<hbm>>
        %dma_start3A_211 = tpu.memref_squeeze %dma_start3A_210 : memref<1x10000x64xf32, #tpu.memory_space<hbm>> -> memref<10000x64xf32, #tpu.memory_space<hbm>>
        %dma_start3A_212 = arith.constant 0 : i32
        %dma_start3A_213 = arith.constant 0 : i32
        %dma_start3A_214 = tpu.memref_slice %dma_start3A_211[%dma_start3A_212, %dma_start3A_213] : memref<10000x64xf32, #tpu.memory_space<hbm>> -> memref<10000x64xf32, #tpu.memory_space<hbm>>
        tpu.enqueue_indirect_dma source(%dma_start3A_214 : memref<10000x64xf32, #tpu.memory_space<hbm>>) target(%arg8 : memref<125x64xf32, #tpu.memory_space<vmem>>) offsets(%dma_start3A_207 : memref<125xi32, #tpu.memory_space<vmem>>) semaphore(%arg14 : memref<!tpu.dma_semaphore, #tpu.memory_space<semaphore_mem>>)
      } else {
      }
      %add3A_158 = arith.constant 1 : i32
      %add3A_159 = arith.addi %mul3A_74, %add3A_158 : i32
      %dma_wait3A_160 = arith.constant 0 : i32
      %dma_wait3A_161 = tpu.memref_slice %arg7[%add3A_159, %dma_wait3A_160] : memref<160x125xi32, #tpu.memory_space<vmem>> -> memref<1x125xi32, #tpu.memory_space<vmem>>
      %dma_wait3A_162 = tpu.memref_squeeze %dma_wait3A_161 : memref<1x125xi32, #tpu.memory_space<vmem>> -> memref<125xi32, #tpu.memory_space<vmem>>
      %dma_wait3A_163 = arith.constant 0 : i32
      %dma_wait3A_164 = arith.constant 0 : i32
      %dma_wait3A_165 = tpu.memref_slice %arg13[%dma_wait3A_163, %dma_wait3A_164] : memref<10240x64xf32, #tpu.memory_space<vmem_shared>> -> memref<10240x64xf32, #tpu.memory_space<vmem_shared>>
      tpu.wait_indirect_dma semaphore(%arg19 : memref<!tpu.dma_semaphore, #tpu.memory_space<semaphore_mem>>) src(%arg9 : memref<125x64xf32, #tpu.memory_space<vmem>>) dst(%dma_wait3A_165 : memref<10240x64xf32, #tpu.memory_space<vmem_shared>>)
      %add3A_166 = arith.constant 4 : i32
      %add3A_167 = arith.addi %add3A_159, %add3A_166 : i32
      %lt3A_168 = arith.constant 160 : i32
      %lt3A_169 = arith.cmpi slt, %add3A_167, %lt3A_168 : i32
      %convert_element_type3A_170 = arith.extui %lt3A_169 : i1 to i32
      %cond3A_171 = arith.constant 0 : i32
      %cond3A_172 = arith.cmpi ne, %convert_element_type3A_170, %cond3A_171 : i32
      scf.if %cond3A_172 {
        %add3A_203 = arith.constant 4 : i32
        %add3A_204 = arith.addi %add3A_159, %add3A_203 : i32
        %dma_start3A_205 = arith.constant 0 : i32
        %dma_start3A_206 = tpu.memref_slice %arg6[%add3A_204, %dma_start3A_205] : memref<160x125xi32, #tpu.memory_space<vmem>> -> memref<1x125xi32, #tpu.memory_space<vmem>>
        %dma_start3A_207 = tpu.memref_squeeze %dma_start3A_206 : memref<1x125xi32, #tpu.memory_space<vmem>> -> memref<125xi32, #tpu.memory_space<vmem>>
        %dma_start3A_208 = arith.constant 0 : i32
        %dma_start3A_209 = arith.constant 0 : i32
        %dma_start3A_210 = tpu.memref_slice %arg2[%arg0, %dma_start3A_208, %dma_start3A_209] : memref<2x10000x64xf32, #tpu.memory_space<hbm>> -> memref<1x10000x64xf32, #tpu.memory_space<hbm>>
        %dma_start3A_211 = tpu.memref_squeeze %dma_start3A_210 : memref<1x10000x64xf32, #tpu.memory_space<hbm>> -> memref<10000x64xf32, #tpu.memory_space<hbm>>
        %dma_start3A_212 = arith.constant 0 : i32
        %dma_start3A_213 = arith.constant 0 : i32
        %dma_start3A_214 = tpu.memref_slice %dma_start3A_211[%dma_start3A_212, %dma_start3A_213] : memref<10000x64xf32, #tpu.memory_space<hbm>> -> memref<10000x64xf32, #tpu.memory_space<hbm>>
        tpu.enqueue_indirect_dma source(%dma_start3A_214 : memref<10000x64xf32, #tpu.memory_space<hbm>>) target(%arg9 : memref<125x64xf32, #tpu.memory_space<vmem>>) offsets(%dma_start3A_207 : memref<125xi32, #tpu.memory_space<vmem>>) semaphore(%arg15 : memref<!tpu.dma_semaphore, #tpu.memory_space<semaphore_mem>>)
      } else {
      }
      %add3A_173 = arith.constant 2 : i32
      %add3A_174 = arith.addi %mul3A_74, %add3A_173 : i32
      %dma_wait3A_175 = arith.constant 0 : i32
      %dma_wait3A_176 = tpu.memref_slice %arg7[%add3A_174, %dma_wait3A_175] : memref<160x125xi32, #tpu.memory_space<vmem>> -> memref<1x125xi32, #tpu.memory_space<vmem>>
      %dma_wait3A_177 = tpu.memref_squeeze %dma_wait3A_176 : memref<1x125xi32, #tpu.memory_space<vmem>> -> memref<125xi32, #tpu.memory_space<vmem>>
      %dma_wait3A_178 = arith.constant 0 : i32
      %dma_wait3A_179 = arith.constant 0 : i32
      %dma_wait3A_180 = tpu.memref_slice %arg13[%dma_wait3A_178, %dma_wait3A_179] : memref<10240x64xf32, #tpu.memory_space<vmem_shared>> -> memref<10240x64xf32, #tpu.memory_space<vmem_shared>>
      tpu.wait_indirect_dma semaphore(%arg20 : memref<!tpu.dma_semaphore, #tpu.memory_space<semaphore_mem>>) src(%arg10 : memref<125x64xf32, #tpu.memory_space<vmem>>) dst(%dma_wait3A_180 : memref<10240x64xf32, #tpu.memory_space<vmem_shared>>)
      %add3A_181 = arith.constant 4 : i32
      %add3A_182 = arith.addi %add3A_174, %add3A_181 : i32
      %lt3A_183 = arith.constant 160 : i32
      %lt3A_184 = arith.cmpi slt, %add3A_182, %lt3A_183 : i32
      %convert_element_type3A_185 = arith.extui %lt3A_184 : i1 to i32
      %cond3A_186 = arith.constant 0 : i32
      %cond3A_187 = arith.cmpi ne, %convert_element_type3A_185, %cond3A_186 : i32
      scf.if %cond3A_187 {
        %add3A_203 = arith.constant 4 : i32
        %add3A_204 = arith.addi %add3A_174, %add3A_203 : i32
        %dma_start3A_205 = arith.constant 0 : i32
        %dma_start3A_206 = tpu.memref_slice %arg6[%add3A_204, %dma_start3A_205] : memref<160x125xi32, #tpu.memory_space<vmem>> -> memref<1x125xi32, #tpu.memory_space<vmem>>
        %dma_start3A_207 = tpu.memref_squeeze %dma_start3A_206 : memref<1x125xi32, #tpu.memory_space<vmem>> -> memref<125xi32, #tpu.memory_space<vmem>>
        %dma_start3A_208 = arith.constant 0 : i32
        %dma_start3A_209 = arith.constant 0 : i32
        %dma_start3A_210 = tpu.memref_slice %arg2[%arg0, %dma_start3A_208, %dma_start3A_209] : memref<2x10000x64xf32, #tpu.memory_space<hbm>> -> memref<1x10000x64xf32, #tpu.memory_space<hbm>>
        %dma_start3A_211 = tpu.memref_squeeze %dma_start3A_210 : memref<1x10000x64xf32, #tpu.memory_space<hbm>> -> memref<10000x64xf32, #tpu.memory_space<hbm>>
        %dma_start3A_212 = arith.constant 0 : i32
        %dma_start3A_213 = arith.constant 0 : i32
        %dma_start3A_214 = tpu.memref_slice %dma_start3A_211[%dma_start3A_212, %dma_start3A_213] : memref<10000x64xf32, #tpu.memory_space<hbm>> -> memref<10000x64xf32, #tpu.memory_space<hbm>>
        tpu.enqueue_indirect_dma source(%dma_start3A_214 : memref<10000x64xf32, #tpu.memory_space<hbm>>) target(%arg10 : memref<125x64xf32, #tpu.memory_space<vmem>>) offsets(%dma_start3A_207 : memref<125xi32, #tpu.memory_space<vmem>>) semaphore(%arg16 : memref<!tpu.dma_semaphore, #tpu.memory_space<semaphore_mem>>)
      } else {
      }
      %add3A_188 = arith.constant 3 : i32
      %add3A_189 = arith.addi %mul3A_74, %add3A_188 : i32
      %dma_wait3A_190 = arith.constant 0 : i32
      %dma_wait3A_191 = tpu.memref_slice %arg7[%add3A_189, %dma_wait3A_190] : memref<160x125xi32, #tpu.memory_space<vmem>> -> memref<1x125xi32, #tpu.memory_space<vmem>>
      %dma_wait3A_192 = tpu.memref_squeeze %dma_wait3A_191 : memref<1x125xi32, #tpu.memory_space<vmem>> -> memref<125xi32, #tpu.memory_space<vmem>>
      %dma_wait3A_193 = arith.constant 0 : i32
      %dma_wait3A_194 = arith.constant 0 : i32
      %dma_wait3A_195 = tpu.memref_slice %arg13[%dma_wait3A_193, %dma_wait3A_194] : memref<10240x64xf32, #tpu.memory_space<vmem_shared>> -> memref<10240x64xf32, #tpu.memory_space<vmem_shared>>
      tpu.wait_indirect_dma semaphore(%arg21 : memref<!tpu.dma_semaphore, #tpu.memory_space<semaphore_mem>>) src(%arg11 : memref<125x64xf32, #tpu.memory_space<vmem>>) dst(%dma_wait3A_195 : memref<10240x64xf32, #tpu.memory_space<vmem_shared>>)
      %add3A_196 = arith.constant 4 : i32
      %add3A_197 = arith.addi %add3A_189, %add3A_196 : i32
      %lt3A_198 = arith.constant 160 : i32
      %lt3A_199 = arith.cmpi slt, %add3A_197, %lt3A_198 : i32
      %convert_element_type3A_200 = arith.extui %lt3A_199 : i1 to i32
      %cond3A_201 = arith.constant 0 : i32
      %cond3A_202 = arith.cmpi ne, %convert_element_type3A_200, %cond3A_201 : i32
      scf.if %cond3A_202 {
        %add3A_203 = arith.constant 4 : i32
        %add3A_204 = arith.addi %add3A_189, %add3A_203 : i32
        %dma_start3A_205 = arith.constant 0 : i32
        %dma_start3A_206 = tpu.memref_slice %arg6[%add3A_204, %dma_start3A_205] : memref<160x125xi32, #tpu.memory_space<vmem>> -> memref<1x125xi32, #tpu.memory_space<vmem>>
        %dma_start3A_207 = tpu.memref_squeeze %dma_start3A_206 : memref<1x125xi32, #tpu.memory_space<vmem>> -> memref<125xi32, #tpu.memory_space<vmem>>
        %dma_start3A_208 = arith.constant 0 : i32
        %dma_start3A_209 = arith.constant 0 : i32
        %dma_start3A_210 = tpu.memref_slice %arg2[%arg0, %dma_start3A_208, %dma_start3A_209] : memref<2x10000x64xf32, #tpu.memory_space<hbm>> -> memref<1x10000x64xf32, #tpu.memory_space<hbm>>
        %dma_start3A_211 = tpu.memref_squeeze %dma_start3A_210 : memref<1x10000x64xf32, #tpu.memory_space<hbm>> -> memref<10000x64xf32, #tpu.memory_space<hbm>>
        %dma_start3A_212 = arith.constant 0 : i32
        %dma_start3A_213 = arith.constant 0 : i32
        %dma_start3A_214 = tpu.memref_slice %dma_start3A_211[%dma_start3A_212, %dma_start3A_213] : memref<10000x64xf32, #tpu.memory_space<hbm>> -> memref<10000x64xf32, #tpu.memory_space<hbm>>
        tpu.enqueue_indirect_dma source(%dma_start3A_214 : memref<10000x64xf32, #tpu.memory_space<hbm>>) target(%arg11 : memref<125x64xf32, #tpu.memory_space<vmem>>) offsets(%dma_start3A_207 : memref<125xi32, #tpu.memory_space<vmem>>) semaphore(%arg17 : memref<!tpu.dma_semaphore, #tpu.memory_space<semaphore_mem>>)
      } else {
      }
    }
    %scan3A_66 = arith.constant 40 : i32
    %barrier3A_67 = arith.constant 0 : index
    tpu.barrier barrier_id(%barrier3A_67)
    %mul3A_68 = arith.constant 640 : i32
    %mul3A_69 = arith.muli %arg1, %mul3A_68 : i32
    %mul3A_70 = arith.constant 640 : i32
    %mul3A_71 = arith.muli %arg1, %mul3A_70 : i32
    "tpu.region"() ({
      %run_scoped3A_72 = tpu.sem_alloc : memref<!tpu.dma_semaphore, #tpu.memory_space<semaphore_mem>>
      %dma_start3A_73 = arith.constant 0 : i32
      %dma_start3A_74 = tpu.memref_slice %arg5[%arg0, %mul3A_71, %dma_start3A_73] : memref<2x10240x64xf32, #tpu.memory_space<hbm>> -> memref<1x640x64xf32, #tpu.memory_space<hbm>>
      %dma_start3A_75 = tpu.memref_squeeze %dma_start3A_74 : memref<1x640x64xf32, #tpu.memory_space<hbm>> -> memref<640x64xf32, #tpu.memory_space<hbm>>
      %dma_start3A_76 = arith.constant 0 : i32
      %dma_start3A_77 = tpu.memref_slice %arg13[%mul3A_69, %dma_start3A_76] : memref<10240x64xf32, #tpu.memory_space<vmem_shared>> -> memref<640x64xf32, #tpu.memory_space<vmem_shared>>
      tpu.enqueue_dma source(%dma_start3A_77 : memref<640x64xf32, #tpu.memory_space<vmem_shared>>) target(%dma_start3A_75 : memref<640x64xf32, #tpu.memory_space<hbm>>) target_semaphore(%run_scoped3A_72 : memref<!tpu.dma_semaphore, #tpu.memory_space<semaphore_mem>>)
      %dma_wait3A = arith.constant 0 : i32
      %dma_wait3A_78 = tpu.memref_slice %arg5[%arg0, %mul3A_71, %dma_wait3A] : memref<2x10240x64xf32, #tpu.memory_space<hbm>> -> memref<1x640x64xf32, #tpu.memory_space<hbm>>
      %dma_wait3A_79 = tpu.memref_squeeze %dma_wait3A_78 : memref<1x640x64xf32, #tpu.memory_space<hbm>> -> memref<640x64xf32, #tpu.memory_space<hbm>>
      %dma_wait3A_80 = arith.constant 0 : i32
      %dma_wait3A_81 = tpu.memref_slice %arg13[%mul3A_69, %dma_wait3A_80] : memref<10240x64xf32, #tpu.memory_space<vmem_shared>> -> memref<640x64xf32, #tpu.memory_space<vmem_shared>>
      tpu.wait_dma2 semaphore(%run_scoped3A_72 : memref<!tpu.dma_semaphore, #tpu.memory_space<semaphore_mem>>) src(%dma_wait3A_81 : memref<640x64xf32, #tpu.memory_space<vmem_shared>>) dst(%dma_wait3A_79 : memref<640x64xf32, #tpu.memory_space<hbm>>)
      tpu.yield
    }) : () -> ()
    return
  }
}

module attributes {stable_mosaic.version = 14 : i64} {
  func.func @body(%arg0: i32, %arg1: memref<2000x128xf32, #tpu.memory_space<vmem>>, %arg2: memref<128x128xf32, #tpu.memory_space<vmem>>, %arg3: memref<2x2000x8xf32, #tpu.memory_space<vmem>>, %arg4: memref<2x2000x64xf32, #tpu.memory_space<vmem>>) attributes {dimension_semantics = [#tpu.dimension_semantics<arbitrary>], iteration_bounds = array<i64: 5>, scalar_prefetch = 0 : i64, scratch_operands = 0 : i64, tpu.core_type = #tpu.core_type<tc>, window_params = [{transform_indices = @transform_0, window_bounds = array<i64: 2000, 128>}, {pipeline_mode = #tpu.pipeline_mode<synchronous>, transform_indices = @transform_1, window_bounds = array<i64: 128, 128>}, {transform_indices = @transform_2, window_bounds = array<i64: 2, 2000, 8>}, {transform_indices = @transform_3, window_bounds = array<i64: 2, 2000, 64>}]} {
    %get3A = arith.constant 0 : index
    %get3A_0 = arith.constant 0 : index
    %get3A_1 = vector.load %arg1[%get3A, %get3A_0] : memref<2000x128xf32, #tpu.memory_space<vmem>>, vector<2000x128xf32>
    %get3A_2 = arith.constant 0 : index
    %get3A_3 = arith.constant 0 : index
    %get3A_4 = vector.load %arg2[%get3A_2, %get3A_3] : memref<128x128xf32, #tpu.memory_space<vmem>>, vector<128x128xf32>
    %dot_general3A = arith.constant dense<0.000000e+00> : vector<2000x128xf32>
    %dot_general3A_5 = tpu.matmul %get3A_1, %get3A_4, %dot_general3A {dimension_numbers = #tpu.dot_dimension_numbers<[1], [0], [0], [1], [0, 0, 1, 1], [], []>, transpose_lhs_hint = false} : vector<2000x128xf32>, vector<128x128xf32>, vector<2000x128xf32> -> vector<2000x128xf32>
    %get3A_6 = arith.constant 0 : index
    %get3A_7 = arith.constant 0 : index
    %get3A_8 = arith.constant 0 : index
    %get3A_9 = vector.load %arg3[%get3A_6, %get3A_7, %get3A_8] : memref<2x2000x8xf32, #tpu.memory_space<vmem>>, vector<2x2000x8xf32>
    %slice3A = vector.extract_strided_slice %get3A_9 {offsets = [0, 0, 0], sizes = [1, 2000, 1], strides = [1, 1, 1]} : vector<2x2000x8xf32> to vector<1x2000x1xf32>
    %squeeze3A = vector.shape_cast %slice3A : vector<1x2000x1xf32> to vector<2000x1xf32>
    %slice3A_10 = vector.extract_strided_slice %get3A_9 {offsets = [1, 0, 0], sizes = [1, 2000, 1], strides = [1, 1, 1]} : vector<2x2000x8xf32> to vector<1x2000x1xf32>
    %squeeze3A_11 = vector.shape_cast %slice3A_10 : vector<1x2000x1xf32> to vector<2000x1xf32>
    %add3A = arith.addf %squeeze3A, %squeeze3A_11 : vector<2000x1xf32>
    %add3A_12 = arith.constant 1.000000e+00 : f32
    %add3A_13 = vector.broadcast %add3A_12 : f32 to vector<2000x1xf32>
    %add3A_14 = arith.addf %add3A, %add3A_13 : vector<2000x1xf32>
    %rsqrt3A = math.rsqrt %add3A_14 : vector<2000x1xf32>
    %mul3A = vector.broadcast %rsqrt3A : vector<2000x1xf32> to vector<2000x128xf32>
    %mul3A_15 = arith.mulf %dot_general3A_5, %mul3A : vector<2000x128xf32>
    %slice3A_16 = vector.extract_strided_slice %mul3A_15 {offsets = [0, 0], sizes = [2000, 64], strides = [1, 1]} : vector<2000x128xf32> to vector<2000x64xf32>
    %swap3A = arith.constant 0 : index
    %swap3A_17 = arith.constant 0 : index
    %swap3A_18 = arith.constant 0 : index
    %swap3A_19 = vector.load %arg4[%swap3A, %swap3A_17, %swap3A_18] : memref<2x2000x64xf32, #tpu.memory_space<vmem>>, vector<1x2000x64xf32>
    %swap3A_20 = vector.shape_cast %swap3A_19 : vector<1x2000x64xf32> to vector<2000x64xf32>
    %swap3A_21 = vector.shape_cast %slice3A_16 : vector<2000x64xf32> to vector<1x2000x64xf32>
    tpu.vector_store %arg4[%swap3A, %swap3A_17, %swap3A_18], %swap3A_21 {strides = array<i32>} : memref<2x2000x64xf32, #tpu.memory_space<vmem>>, vector<1x2000x64xf32>,
    %slice3A_22 = vector.extract_strided_slice %mul3A_15 {offsets = [0, 64], sizes = [2000, 64], strides = [1, 1]} : vector<2000x128xf32> to vector<2000x64xf32>
    %swap3A_23 = arith.constant 1 : index
    %swap3A_24 = arith.constant 0 : index
    %swap3A_25 = arith.constant 0 : index
    %swap3A_26 = vector.load %arg4[%swap3A_23, %swap3A_24, %swap3A_25] : memref<2x2000x64xf32, #tpu.memory_space<vmem>>, vector<1x2000x64xf32>
    %swap3A_27 = vector.shape_cast %swap3A_26 : vector<1x2000x64xf32> to vector<2000x64xf32>
    %swap3A_28 = vector.shape_cast %slice3A_22 : vector<2000x64xf32> to vector<1x2000x64xf32>
    tpu.vector_store %arg4[%swap3A_23, %swap3A_24, %swap3A_25], %swap3A_28 {strides = array<i32>} : memref<2x2000x64xf32, #tpu.memory_space<vmem>>, vector<1x2000x64xf32>,
    return
  }
  func.func @transform_0(%arg0: i32) -> (i32, i32) {
    %c0_i32 = arith.constant 0 : i32
    %c0_i32_0 = arith.constant 0 : i32
    return %arg0, %c0_i32 : i32, i32
  }
  func.func @transform_1(%arg0: i32) -> (i32, i32) {
    %c0_i32 = arith.constant 0 : i32
    %c0_i32_0 = arith.constant 0 : i32
    %c0_i32_1 = arith.constant 0 : i32
    return %c0_i32, %c0_i32_0 : i32, i32
  }
  func.func @transform_2(%arg0: i32) -> (i32, i32, i32) {
    %c0_i32 = arith.constant 0 : i32
    %c0_i32_0 = arith.constant 0 : i32
    %c0_i32_1 = arith.constant 0 : i32
    return %c0_i32, %arg0, %c0_i32_0 : i32, i32, i32
  }
  func.func @transform_3(%arg0: i32) -> (i32, i32, i32) {
    %c0_i32 = arith.constant 0 : i32
    %c0_i32_0 = arith.constant 0 : i32
    %c0_i32_1 = arith.constant 0 : i32
    return %c0_i32, %arg0, %c0_i32_0 : i32, i32, i32
  }
}

module attributes {stable_mosaic.version = 14 : i64} {
  func.func @body(%arg0: i32, %arg1: memref<2x2000x64xf32, #tpu.memory_space<vmem>>, %arg2: memref<2x2000x64xf32, #tpu.memory_space<vmem>>, %arg3: memref<2x2000x8xf32, #tpu.memory_space<vmem>>, %arg4: memref<1x128xf32, #tpu.memory_space<vmem>>, %arg5: memref<2000x128xf32, #tpu.memory_space<vmem>>) attributes {dimension_semantics = [#tpu.dimension_semantics<arbitrary>], iteration_bounds = array<i64: 5>, scalar_prefetch = 0 : i64, scratch_operands = 0 : i64, tpu.core_type = #tpu.core_type<tc>, window_params = [{transform_indices = @transform_0, window_bounds = array<i64: 2, 2000, 64>}, {transform_indices = @transform_1, window_bounds = array<i64: 2, 2000, 64>}, {transform_indices = @transform_2, window_bounds = array<i64: 2, 2000, 8>}, {pipeline_mode = #tpu.pipeline_mode<synchronous>, transform_indices = @transform_3, window_bounds = array<i64: 1, 128>}, {transform_indices = @transform_4, window_bounds = array<i64: 2000, 128>}]} {
    %get3A = arith.constant 0 : index
    %get3A_0 = arith.constant 0 : index
    %get3A_1 = arith.constant 0 : index
    %get3A_2 = vector.load %arg3[%get3A, %get3A_0, %get3A_1] : memref<2x2000x8xf32, #tpu.memory_space<vmem>>, vector<2x2000x8xf32>
    %slice3A = vector.extract_strided_slice %get3A_2 {offsets = [0, 0, 0], sizes = [1, 2000, 1], strides = [1, 1, 1]} : vector<2x2000x8xf32> to vector<1x2000x1xf32>
    %squeeze3A = vector.shape_cast %slice3A : vector<1x2000x1xf32> to vector<2000x1xf32>
    %slice3A_3 = vector.extract_strided_slice %get3A_2 {offsets = [1, 0, 0], sizes = [1, 2000, 1], strides = [1, 1, 1]} : vector<2x2000x8xf32> to vector<1x2000x1xf32>
    %squeeze3A_4 = vector.shape_cast %slice3A_3 : vector<1x2000x1xf32> to vector<2000x1xf32>
    %add3A = arith.addf %squeeze3A, %squeeze3A_4 : vector<2000x1xf32>
    %add3A_5 = arith.constant 1.000000e+00 : f32
    %add3A_6 = vector.broadcast %add3A_5 : f32 to vector<2000x1xf32>
    %add3A_7 = arith.addf %add3A, %add3A_6 : vector<2000x1xf32>
    %rsqrt3A = math.rsqrt %add3A_7 : vector<2000x1xf32>
    %get3A_8 = arith.constant 0 : index
    %get3A_9 = arith.constant 0 : index
    %get3A_10 = arith.constant 0 : index
    %get3A_11 = vector.load %arg1[%get3A_8, %get3A_9, %get3A_10] : memref<2x2000x64xf32, #tpu.memory_space<vmem>>, vector<1x2000x64xf32>
    %get3A_12 = vector.shape_cast %get3A_11 : vector<1x2000x64xf32> to vector<2000x64xf32>
    %get3A_13 = arith.constant 0 : index
    %get3A_14 = arith.constant 0 : index
    %get3A_15 = arith.constant 0 : index
    %get3A_16 = vector.load %arg2[%get3A_13, %get3A_14, %get3A_15] : memref<2x2000x64xf32, #tpu.memory_space<vmem>>, vector<1x2000x64xf32>
    %get3A_17 = vector.shape_cast %get3A_16 : vector<1x2000x64xf32> to vector<2000x64xf32>
    %add3A_18 = arith.addf %get3A_12, %get3A_17 : vector<2000x64xf32>
    %get3A_19 = arith.constant 1 : index
    %get3A_20 = arith.constant 0 : index
    %get3A_21 = arith.constant 0 : index
    %get3A_22 = vector.load %arg1[%get3A_19, %get3A_20, %get3A_21] : memref<2x2000x64xf32, #tpu.memory_space<vmem>>, vector<1x2000x64xf32>
    %get3A_23 = vector.shape_cast %get3A_22 : vector<1x2000x64xf32> to vector<2000x64xf32>
    %get3A_24 = arith.constant 1 : index
    %get3A_25 = arith.constant 0 : index
    %get3A_26 = arith.constant 0 : index
    %get3A_27 = vector.load %arg2[%get3A_24, %get3A_25, %get3A_26] : memref<2x2000x64xf32, #tpu.memory_space<vmem>>, vector<1x2000x64xf32>
    %get3A_28 = vector.shape_cast %get3A_27 : vector<1x2000x64xf32> to vector<2000x64xf32>
    %add3A_29 = arith.addf %get3A_23, %get3A_28 : vector<2000x64xf32>
    %concatenate3A = tpu.concatenate %add3A_18, %add3A_29 in 1 : vector<2000x64xf32>, vector<2000x64xf32> -> vector<2000x128xf32>
    %mul3A = vector.broadcast %rsqrt3A : vector<2000x1xf32> to vector<2000x128xf32>
    %mul3A_30 = arith.mulf %concatenate3A, %mul3A : vector<2000x128xf32>
    %get3A_31 = arith.constant 0 : index
    %get3A_32 = arith.constant 0 : index
    %get3A_33 = vector.load %arg4[%get3A_31, %get3A_32] : memref<1x128xf32, #tpu.memory_space<vmem>>, vector<1x128xf32>
    %add3A_34 = vector.broadcast %get3A_33 : vector<1x128xf32> to vector<2000x128xf32>
    %add3A_35 = arith.addf %mul3A_30, %add3A_34 : vector<2000x128xf32>
    %max3A = arith.constant 0.000000e+00 : f32
    %max3A_36 = vector.broadcast %max3A : f32 to vector<2000x128xf32>
    %max3A_37 = arith.maximumf %add3A_35, %max3A_36 : vector<2000x128xf32>
    %swap3A = arith.constant 0 : index
    %swap3A_38 = arith.constant 0 : index
    %swap3A_39 = vector.load %arg5[%swap3A, %swap3A_38] : memref<2000x128xf32, #tpu.memory_space<vmem>>, vector<2000x128xf32>
    tpu.vector_store %arg5[%swap3A, %swap3A_38], %max3A_37 {strides = array<i32>} : memref<2000x128xf32, #tpu.memory_space<vmem>>, vector<2000x128xf32>,
    return
  }
  func.func @transform_0(%arg0: i32) -> (i32, i32, i32) {
    %c0_i32 = arith.constant 0 : i32
    %c0_i32_0 = arith.constant 0 : i32
    %c0_i32_1 = arith.constant 0 : i32
    return %c0_i32, %arg0, %c0_i32_0 : i32, i32, i32
  }
  func.func @transform_1(%arg0: i32) -> (i32, i32, i32) {
    %c0_i32 = arith.constant 0 : i32
    %c0_i32_0 = arith.constant 0 : i32
    %c0_i32_1 = arith.constant 0 : i32
    return %c0_i32, %arg0, %c0_i32_0 : i32, i32, i32
  }
  func.func @transform_2(%arg0: i32) -> (i32, i32, i32) {
    %c0_i32 = arith.constant 0 : i32
    %c0_i32_0 = arith.constant 0 : i32
    %c0_i32_1 = arith.constant 0 : i32
    return %c0_i32, %arg0, %c0_i32_0 : i32, i32, i32
  }
  func.func @transform_3(%arg0: i32) -> (i32, i32) {
    %c0_i32 = arith.constant 0 : i32
    %c0_i32_0 = arith.constant 0 : i32
    %c0_i32_1 = arith.constant 0 : i32
    return %c0_i32, %c0_i32_0 : i32, i32
  }
  func.func @transform_4(%arg0: i32) -> (i32, i32) {
    %c0_i32 = arith.constant 0 : i32
    %c0_i32_0 = arith.constant 0 : i32
    return %arg0, %c0_i32 : i32, i32
  }
}

</mosaic_0001>

<sc_bundles>
// kernel: kernel.6.cloned.1.call-start
scs
__scs_entry_jumppad:
0x0: {  	(pc) =	sbr.rel $0x88, $3  }
0x1: {  	(tag) =	ssettag $0x0;
	lr =	simm.s32 $0x1  }
0x2: {  	[smem:$0x3F9D] =	sst lr;
	_ =	strace $0xD0000000  }
0x3: {  	_ = 	snop  }
0x4: {  	_ = 	snop  }
0x5: {  	_ = 	snop  }
0x6: {  	_ = 	snop  }
0x7: {  	_ = 	snop  }
__scs_overlays_trampoline_lowered:
0x8: {  	[smem:$0x3FAC] =	sst s0  }
0x9: {  	[smem:$0x3FAD] =	sst s1  }
0xa: {  	[smem:$0x3FAE] =	sst s2  }
0xb: {  	[smem:$0x3FAF] =	sst s3  }
0xc: {  	[smem:$0x3FB0] =	sst s4  }
0xd: {  	[smem:$0x3FB1] =	sst s5  }
0xe: {  	[smem:$0x3FB2] =	sst s6  }
0xf: {  	[smem:$0x3FB3] =	sst s7  }
0x10: {  	[smem:$0x3FB4] =	sst s8  }
0x11: {  	[smem:$0x3FB5] =	sst s9;
	s0 =	simm.s32 @!p0 $0x0  }
0x12: {  	s1 =	sld [smem:$0x3F9B];
	s0 =	simm.s32 @p0 $0x1  }
0x13: {  	[smem:$0x3FB6] =	sst s0;
	s0 =	simm.s32 @!p1 $0x0  }
0x14: {  	s2 =	sld [smem:$0x3F9A];
	s0 =	simm.s32 @p1 $0x1  }
0x15: {  	[smem:$0x3FB7] =	sst s0;
	s0 =	simm.s32 @!p2 $0x0  }
0x16: {  	s3 =	sld [smem:$0x3FDB];
	s0 =	simm.s32 @p2 $0x1  }
0x17: {  	s4 =	simm.s32 $0x1BF5;
	[smem:$0x3FB9] =	sst s0  }
0x18: {  	s0 =	sld [smem:$0x3F9C];
	_ =	swait.ge [sflag:s4], $0x0  }
0x19: {  	s7 =	sld [smem:$0x3F9D]  }
0x1a: {  	s8 =	sadd.s32 $0xFFFFE003, lr  }
0x1b: {  	s9 =	sadd.s32 $0xFFFFFEF7, lr;
	s5 =	simm.s32 $0xFFFFFFFF;
	p2 =	slt.u32 s8, $0xFFFFF086  }
0x1c: {  	p1 =	slt.u32 s9, $0xF7A;
	s5 =	simm.s32 @!p2 $0x0  }
0x1d: {  	s5 =	simm.s32 @p1 $0x1;
	p0 =	seq.s32 s7, s2  }
0x1e: {  	s7 =	smul.u32 @!p0 $0xF7A, s2;
	p2 =	seq.s32 @!p0 s5, $0x0  }
0x1f: {  	s9 =	smul.u32 $0xF7A, s1;
	s8 =	simm.s32 @!p0 $0x1BF5;
	p2 =	por !p2, p0  }
0x20: {  	[sflag:s8] =	ssyncset.s32 @!p0 $0xFFFFF086;
	s6 =	sadd.s32 @!p0 s3, s7;
	s7 =	simm.s32 @!p0 $0x108  }
0x21: {  	s3 =	sadd.s32 s3, s9;
	s6 =	sadd.s32 @!p0 $0x88, s6;
	s7 =	simm.s32 @p2 $0x1082  }
0x22: {  	[simem:s7], [sflag:s8] =	dma.local @!p0 [hbm:s6], $0xF7A  }
0x23: {  	s9 =	sor.u32 $0xD0000000, s2;
	s6 =	simm.s32 $0x108;
	_ =	swait.ge @!p0 [sflag:s8], $0x0  }
0x24: {  	s3 =	sadd.s32 $0x88, s3;
	s6 =	simm.s32 @!p1 $0x1082;
	[sflag:s4] =	ssyncset.s32 $0xFFFFF086  }
0x25: {  	[simem:s6], [sflag:s4] =	dma.local [hbm:s3], $0xF7A  }
0x26: {  	[smem:$0x3F9D] =	sst s1;
	(tag) =	ssettag s2;
	_ =	strace s9  }
0x27: {  	s1 =	sld [smem:$0x3FAD]  }
0x28: {  	s2 =	sld [smem:$0x3FAE]  }
0x29: {  	s4 =	sld [smem:$0x3FB0]  }
0x2a: {  	p0 =	seq.s32 s5, $0x0;
	s5 =	sld [smem:$0x3FB1]  }
0x2b: {  	s6 =	sld [smem:$0x3FB2]  }
0x2c: {  	s7 =	sld [smem:$0x3FB3]  }
0x2d: {  	s3 =	simm.s32 $0x108;
	s8 =	sld [smem:$0x3FB4]  }
0x2e: {  	s3 =	simm.s32 @!p0 $0x1082;
	s9 =	sld [smem:$0x3FB5]  }
0x2f: {  	lr =	sadd.s32 s0, s3;
	s0 =	sld [smem:$0x3FAC]  }
0x30: {  	s3 =	sld [smem:$0x3FAF]  }
0x31: {  	[smem:$0x3FB8] =	sst s10  }
0x32: {  	s10 =	sld [smem:$0x3FB6];
	_ =	sdelay $0x3  }
0x33: {  	p0 =	seq.s32 s10, $0x1;
	s10 =	sld [smem:$0x3FB8];
	_ =	sdelay $0x3  }
0x34: {  	[smem:$0x3FB8] =	sst s10  }
0x35: {  	s10 =	sld [smem:$0x3FB7];
	_ =	sdelay $0x3  }
0x36: {  	p1 =	seq.s32 s10, $0x1;
	s10 =	sld [smem:$0x3FB8];
	_ =	sdelay $0x3  }
0x37: {  	[smem:$0x3FB8] =	sst s10  }
0x38: {  	s10 =	sld [smem:$0x3FB9]  }
0x39: {  	_ = 	snop;
	(pc) =	sbr.ind lr, $3  }
0x3a: {  	_ = 	snop  }
0x3b: {  	_ = 	snop  }
0x3c: {  	p2 =	seq.s32 s10, $0x1;
	s10 =	sld [smem:$0x3FB8]  }
0x3d: {  	_ =	shalt  }
0x3e: {  	_ =	shalt  }
0x3f: {  	_ =	shalt  }
0x40: {  	_ =	shalt  }
0x41: {  	_ =	shalt  }
0x42: {  	_ =	shalt  }
0x43: {  	_ =	shalt  }
0x44: {  	_ =	shalt  }
0x45: {  	_ =	shalt  }
0x46: {  	_ =	shalt  }
0x47: {  	_ =	shalt  }
0x48: {  	_ =	shalt  }
0x49: {  	_ =	shalt  }
0x4a: {  	_ =	shalt  }
0x4b: {  	_ =	shalt  }
0x4c: {  	_ =	shalt  }
0x4d: {  	_ =	shalt  }
0x4e: {  	_ =	shalt  }
0x4f: {  	_ =	shalt  }
0x50: {  	_ =	shalt  }
0x51: {  	_ =	shalt  }
0x52: {  	_ =	shalt  }
0x53: {  	_ =	shalt  }
0x54: {  	_ =	shalt  }
0x55: {  	_ =	shalt  }
0x56: {  	_ =	shalt  }
0x57: {  	_ =	shalt  }
0x58: {  	_ =	shalt  }
0x59: {  	_ =	shalt  }
0x5a: {  	_ =	shalt  }
0x5b: {  	_ =	shalt  }
0x5c: {  	_ =	shalt  }
0x5d: {  	_ =	shalt  }
0x5e: {  	_ =	shalt  }
0x5f: {  	_ =	shalt  }
0x60: {  	_ =	shalt  }
0x61: {  	_ =	shalt  }
0x62: {  	_ =	shalt  }
0x63: {  	_ =	shalt  }
0x64: {  	_ =	shalt  }
0x65: {  	_ =	shalt  }
0x66: {  	_ =	shalt  }
0x67: {  	_ =	shalt  }
0x68: {  	_ =	shalt  }
0x69: {  	_ =	shalt  }
0x6a: {  	_ =	shalt  }
0x6b: {  	_ =	shalt  }
0x6c: {  	_ =	shalt  }
0x6d: {  	_ =	shalt  }
0x6e: {  	_ =	shalt  }
0x6f: {  	_ =	shalt  }
0x70: {  	_ =	shalt  }
0x71: {  	_ =	shalt  }
0x72: {  	_ =	shalt  }
0x73: {  	_ =	shalt  }
0x74: {  	_ =	shalt  }
0x75: {  	_ =	shalt  }
0x76: {  	_ =	shalt  }
0x77: {  	_ =	shalt  }
0x78: {  	_ =	shalt  }
0x79: {  	_ =	shalt  }
0x7a: {  	_ =	shalt  }
0x7b: {  	_ =	shalt  }
0x7c: {  	_ =	shalt  }
0x7d: {  	_ =	shalt  }
0x7e: {  	_ =	shalt  }
0x7f: {  	_ =	shalt  }
0x80: {  	_ =	shalt  }
0x81: {  	_ =	shalt  }
0x82: {  	_ =	shalt  }
0x83: {  	_ =	shalt  }
0x84: {  	_ =	shalt  }
0x85: {  	_ =	shalt  }
0x86: {  	_ =	shalt  }
0x87: {  	_ =	shalt  }
.Lfunc_end0:
.L_simem_size_0:
called_computation_lowered:
.L_overlay_start_0:
0x88: {  	s2 =	sld [smem:$0x3FD9]  }
0x89: {  	s3 =	sld [smem:$0x3FFE];
	_ =	sdelay $0x1  }
0x8a: {  	s1 =	srdreg.scid  }
0x8b: {  	s0 =	sand.u32 $0x1, s1  }
0x8c: {  	s17 =	sshll.u32 s0, $0xA;
	s2 =	sadd.s32 s3, s2  }
0x8d: {  	s2 =	sadd.s32 s2, s17  }
0x8e: {  	[smem:$0x3FC4] =	sst s2  }
0x8f: {  	_ = 	snop  }
0x90: {  	s2 =	sld [smem:$0x3FD0];
	(tm) =	ssettm $0x1  }
0x91: {  	s18 =	sld [smem:$0x3FFB];
	_ =	sdelay $0x3  }
0x92: {  	_ =	strace s18  }
0x93: {  	s3 =	sld [smem:$0x3FFC];
	_ =	sdelay $0x3  }
0x94: {  	_ =	strace s3  }
0x95: {  	s3 =	sld [smem:$0x3FFD];
	_ =	sdelay $0x3  }
0x96: {  	_ =	strace s3  }
0x97: {  	_ =	strace $0x8FFFFFFF  }
0x98: {  	s19 =	sld [smem:$0x3FDB];
	_ =	sdelay $0x1  }
0x99: {  	s4 =	simm.s32 $_scs_section_size  }
0x9a: {  	s5 =	simm.s32 $_size__tile_overlayer_lowered;
	s6 =	simm.s32 $_tile_overlayer_lowered  }
0x9b: {  	s22 =	simm.s32 $0x1BFF;
	s21 =	sshll.u32 s6, $0x1;
	s3 =	sadd.s32 s4, s19  }
0x9c: {  	s7 =	simm.s32 $0x0;
	s20 =	sshll.u32 s5, $0x1;
	s5 =	sadd.s32 s21, s3  }
0x9d: {  	[timem:s7], [sflag:s22] =	dma.local [hbm:s5], s20  }
0x9e: {  	_ =	swait.ge [sflag:s22], s20  }
0x9f: {  	s4 =	ssub.s32 $0x0, s20;
	[sflag:s22] =	ssyncset.done $0x0  }
0xa0: {  	[sflag:s22] =	ssyncadd.s32 s4;
	_ =	sdelay $0x1  }
0xa1: {  	s23 =	simm.s32 $0x1B8B  }
0xa2: {  	_ =	swait.ge [sflag:s23], $0x1  }
0xa3: {  	[sflag:s23] =	ssyncset.done $0x0  }
0xa4: {  	s25 =	simm.s32 $0x1B8E;
	s24 =	sld [smem:$0x3FFE];
	[sflag:s23] =	ssyncadd.s32 $0xFFFFFFFF  }
0xa5: {  	s26 =	simm.s32 $execute0_lowered;
	[smem:$0x3FD2] =	sst s25  }
0xa6: {  	s5 =	sshll.u32 s26, $0x1;
	_ =	strace $0x80000046;
	[dreg:$0x1] =	wrdreg $0xFFFFFFFF  }
0xa7: {  	s28 =	simm.s32 $_size_execute0_lowered;
	s3 =	sadd.s32 s3, s5;
	[dreg:$0x0] =	wrdreg $0x0  }
0xa8: {  	s5 =	sshll.u32 s28, $0x1;
	[dreg:$0x2] =	wrdreg s3  }
0xa9: {  	[dreg:$0x3] =	wrdreg s5  }
0xaa: {  	[dreg:$0x4] =	wrdreg $0xC0  }
0xab: {  	_ =	task [dreg:s7], $0x5FFFF  }
0xac: {  	[dreg:$0x1] =	wrdreg $0xFFFFFFFF  }
0xad: {  	[dreg:$0x0] =	wrdreg $0x60  }
0xae: {  	[dreg:$0x2] =	wrdreg s24  }
0xaf: {  	[dreg:$0x3] =	wrdreg s2  }
0xb0: {  	[dreg:$0x4] =	wrdreg $0x3FE80  }
0xb1: {  	[dreg:$0x5] =	wrdreg $0x9  }
0xb2: {  	_ =	task.clear_ibuf [dreg:s7], $0x6FFFF;
	_ =	strace $0x90000046  }
0xb3: {  	s29 =	simm.s32 $0x9;
	_ =	strace $0x80000048  }
0xb4: {  	_ =	swait.ge [sflag:s29], $0x1  }
0xb5: {  	[sflag:s29] =	ssyncadd.s32 $0xFFFFFFFF  }
0xb6: {  	_ =	strace $0x90000048  }
0xb7: {  	_ =	sfence  }
0xb8: {  	s30 =	sld [smem:$0x0];
	_ =	sdelay $0x2  }
0xb9: {  	s31 =	sshll.u32 s1, $0xD;
	s1 =	sshrl.u32 s1, $0x2  }
0xba: {  	s3 =	sand.u32 $0x4000, s31;
	s1 =	sadd.s32 s1, s30  }
0xbb: {  	s0 =	sor.u32 s3, s0;
	s1 =	sshll.u32 s1, $0x11  }
0xbc: {  	s0 =	sor.u32 s1, s0  }
0xbd: {  	s0 =	sadd.s32 $0x8F2B, s0  }
0xbe: {  	[sflag:s0] =	ssyncadd.remote.s32 $0x1  }
0xbf: {  	_ =	sfence.sel $0xFFFF  }
0xc0: {  	[dreg:$0x0] =	wrdreg $0xFFFFFFFF;
	(pc) =	sbr.abs _section_cstart, $3  }
0xc1: {  	[dreg:$0x1] =	wrdreg $0xFFFFFFFF  }
0xc2: {  	_ =	task.clear_ibuf [dreg:s7], $0x2FFFF;
	_ =	strace $0x9FFFFFFF  }
0xc3: {  	(tm) =	ssettm $0x7FFFFFFF  }
tec
execute0_lowered:
.L_overlay_start_1:
0x0: {  	(tag) =	ssettag $0x1  }
0x1: {  	s5 =	rddreg [dreg:$0x0]  }
0x2: {  	s1 =	srdreg.scid;
	s8 =	rddreg [dreg:$0x1]  }
0x3: {  	s0 =	stileid.u32;
	s2 =	rddreg [dreg:$0x2]  }
0x4: {  	s3 =	simm.s32 $0x0;
	s12 =	simm.s32 $0x2BE8;
	s13 =	simm.s32 $0x7D  }
0x5: {  	s14 =	simm.s32 $0x1;
	s17 =	simm.s32 $0x0;
	s4 =	smul.u32 $0x5000, s0  }
0x6: {  	s6 =	sand.u32 $0x1, s1;
	s1 =	rddreg [dreg:$0x3];
	s31 =	smul.u32 $0x1400, s0  }
0x7: {  	[smem:$0x7FF] =	sst s3;
	s15 =	sshll.u32 s0, $0x6;
	s7 =	smul.u32 $0x2800, s6  }
0x8: {  	_ =	strace $0x80000047;
	s9 =	smul.u32 $0x14000, s6;
	s6 =	ssub.s32 $0x2, s6  }
0x9: {  	s15 =	sor.u32 $0x1C02, s15;
	s11 =	sshrl.u32 s6, $0x1;
	s4 =	sadd.s32 s7, s4  }
0xa: {  	s9 =	sadd.s32 s31, s9;
	s11 =	ssub.s32 s6, s11;
	s7 =	sadd.s32 s31, s2  }
0xb: {  	s4 =	sadd.s32 $0x50000, s4;
	s9 =	sshrl.u32 s9, $0x3;
	s16 =	sshrl.u32 s7, $0x3  }
0xc: {  	s4 =	sshrl.u32 s4, $0x3;
	s8 =	sadd.s32 s8, s9;
	s9 =	smax.u32 s11, $0x1  }
0xd: {  	s11 =	simm.s32 $0x2800;
	s10 =	sadd.s32 s4, s5;
	s4 =	sadd.s32 $0x15400, s5  }
0xe: {  	s5 =	sadd.s32 $0x15600, s5;
	s6 =	sadd.s32 $0x1400, s10;
	s10 =	simm.s32 $0x2  }
.LBB2_1:
0xf: {  	[tilespmem:s3], [sflag:$0x2] =	stream.linear.gather [hbm4b:s6+s3], $0x2800, $0x38;
	[tilespmem:$0x53E8] =	vst v63  }
0x10: {  	_ =	swait.ge [sflag:s10], $0x2800  }
0x11: {  	[sflag:s10] =	ssyncset.done $0x0  }
0x12: {  	[sflag:s10] =	ssyncadd.s32 $0xFFFFD800  }
0x13: {  	[tilespmem:s11], [sflag:$0x2] =	stream.linear.gather [hbm4b:s4+s3], $0x3E8, $0x38;
	[tilespmem:$0x53E8] =	vst v63  }
0x14: {  	_ =	swait.ge [sflag:s10], $0x3E8  }
0x15: {  	[sflag:s10] =	ssyncset.done $0x0  }
0x16: {  	[sflag:s10] =	ssyncadd.s32 $0xFFFFFC18  }
0x17: {  	[tilespmem:s12], [sflag:$0x2] =	stream.linear.gather [hbm4b:s5+s3], $0x1400, $0x38;
	[tilespmem:$0x53E8] =	vst v63  }
0x18: {  	_ =	swait.ge [sflag:s10], $0x1400  }
0x19: {  	[sflag:s10] =	ssyncset.done $0x0  }
0x1a: {  	[sflag:s10] =	ssyncadd.s32 $0xFFFFEC00  }
0x1b: {  	[spmem:s7] =	stream.linear.scatter [tilespmem:s12], [sflag:$0x2], $0x1400, $0x38;
	[tilespmem:$0x53E8] =	vst v63  }
0x1c: {  	_ =	swait.ge [sflag:s10], $0x1400  }
0x1d: {  	[sflag:s10] =	ssyncset.done $0x0  }
0x1e: {  	[sflag:s10] =	ssyncadd.s32 $0xFFFFEC00  }
0x1f: {  	s18 =	simm.s32 $0x0;
	[bflag:$0x0] =	sbarrier.arrive $0xFFFF  }
.LBB2_2:
0x20: {  	p0 =	sne.s32 s18, $0x9E00  }
.Ltmp0:
0x21: {  	_ = 	snop;
	(pc) =	sbr.rel @p0 .LBB2_2-.Ltmp0, $3  }
0x22: {  	_ =	sdelay $0x1  }
0x23: {  	s19 =	sshra.s32 s18, $0x2;
	s18 =	sadd.s32 $0x200, s18  }
0x24: {  	[spmem:s2] =	stream.indirect.scatter.add.f32 [tilespmem:s11], [sflag:$0x1], $0x8, s19, s13, $0xb8;
	[tilespmem:$0x53E8] =	vst v63  }
0x25: {  	_ =	swait.ge [sflag:s14], $0x3E8  }
0x26: {  	s18 =	simm.s32 $0x4F;
	[sflag:s14] =	ssyncset.done $0x0  }
.LBB2_4:
0x27: {  	p0 =	sne.s32 s18, $0x1;
	s18 =	sadd.s32 $0xFFFFFFFF, s18;
	[sflag:s14] =	ssyncadd.s32 $0xFFFFFC18  }
.Ltmp1:
0x28: {  	(pc) =	sbr.rel @p0 .LBB2_4-.Ltmp1, $3  }
0x29: {  	_ =	sdelay $0x1  }
0x2a: {  	_ =	swait.ge [sflag:s14], $0x3E8  }
0x2b: {  	[sflag:s14] =	ssyncset.done $0x0  }
0x2c: {  	s17 =	sadd.s32 $0x1, s17  }
0x2d: {  	[sflag:s14] =	ssyncadd.s32 $0xFFFFFC18;
	p0 =	sne.s32 s17, s9  }
.Ltmp2:
0x2e: {  	[bflag:$0x0] =	sbarrier.arrive $0xFFFF;
	(pc) =	sbr.rel @p0 .LBB2_1-.Ltmp2, $4  }
0x2f: {  	[hbm:s8], [sflag:s15] =	dma.local [spmem:s16], $0x280  }
0x30: {  	_ =	swait.ge [sflag:s10], $0x280  }
0x31: {  	[sflag:s10] =	ssyncset.done $0x0  }
0x32: {  	[sflag:s10] =	ssyncadd.s32 $0xFFFFFD80  }
0x33: {  	_ =	sfence.sel $0x180000  }
0x34: {  	[bflag:$0x0] =	sbarrier.arrive $0xFFFF  }
0x35: {  	p0 =	sne.s32 s0, $0x0;
	_ =	strace $0x90000047  }
0x36: {  	s0 =	sadd.s32 @!p0 $0x100000, s1;
	[bflag:$0x2] =	sbarrier.arrive $0xFFFF  }
0x37: {  	[sflag:s0] =	ssyncadd.tile.s32 @!p0 $0x1;
	_ =	shalt  }
.Lfunc_end2:
_tile_overlayer_lowered:
.L_overlay_start_2:
0x38: {  	(tag) =	ssettag $0x2  }
0x39: {  	s0 =	rddreg [dreg:$0x0];
	s2 =	stileid.u32  }
0x3a: {  	s1 =	rddreg [dreg:$0x1];
	p0 =	sne.s32 s2, $0x0  }
0x3b: {  	s3 =	rddreg [dreg:$0x2];
	[bflag:$0x3] =	sbarrier.arrive $0xFFFF;
	s2 =	simm.s32 @!p0 $0x1C02  }
0x3c: {  	[timem:s3], [sflag:s2] =	dma.local @!p0 [hbm:s0], s1  }
0x3d: {  	s0 =	simm.s32 @!p0 $0x2  }
0x3e: {  	_ =	swait.ge @!p0 [sflag:s0], s1  }
0x3f: {  	s1 =	ssub.s32 @!p0 $0x0, s1;
	[sflag:s0] =	ssyncset.done @!p0 $0x0  }
0x40: {  	[sflag:s0] =	ssyncadd.s32 @!p0 s1  }
0x41: {  	[bflag:$0x3] =	sbarrier.arrive $0xFFFF  }
0x42: {  	_ =	shalt  }

// kernel: kernel.9.cloned.1.call-start
scs
__scs_entry_jumppad:
0x0: {  	(pc) =	sbr.rel $0x88, $3  }
0x1: {  	(tag) =	ssettag $0x0;
	lr =	simm.s32 $0x1  }
0x2: {  	[smem:$0x3F9D] =	sst lr;
	_ =	strace $0xD0000000  }
0x3: {  	_ = 	snop  }
0x4: {  	_ = 	snop  }
0x5: {  	_ = 	snop  }
0x6: {  	_ = 	snop  }
0x7: {  	_ = 	snop  }
__scs_overlays_trampoline_lowered:
0x8: {  	[smem:$0x3FAC] =	sst s0  }
0x9: {  	[smem:$0x3FAD] =	sst s1  }
0xa: {  	[smem:$0x3FAE] =	sst s2  }
0xb: {  	[smem:$0x3FAF] =	sst s3  }
0xc: {  	[smem:$0x3FB0] =	sst s4  }
0xd: {  	[smem:$0x3FB1] =	sst s5  }
0xe: {  	[smem:$0x3FB2] =	sst s6  }
0xf: {  	[smem:$0x3FB3] =	sst s7  }
0x10: {  	[smem:$0x3FB4] =	sst s8  }
0x11: {  	[smem:$0x3FB5] =	sst s9;
	s0 =	simm.s32 @!p0 $0x0  }
0x12: {  	s1 =	sld [smem:$0x3F9B];
	s0 =	simm.s32 @p0 $0x1  }
0x13: {  	[smem:$0x3FB6] =	sst s0;
	s0 =	simm.s32 @!p1 $0x0  }
0x14: {  	s2 =	sld [smem:$0x3F9A];
	s0 =	simm.s32 @p1 $0x1  }
0x15: {  	[smem:$0x3FB7] =	sst s0;
	s0 =	simm.s32 @!p2 $0x0  }
0x16: {  	s3 =	sld [smem:$0x3FDB];
	s0 =	simm.s32 @p2 $0x1  }
0x17: {  	s4 =	simm.s32 $0x1BF5;
	[smem:$0x3FB9] =	sst s0  }
0x18: {  	s0 =	sld [smem:$0x3F9C];
	_ =	swait.ge [sflag:s4], $0x0  }
0x19: {  	s7 =	sld [smem:$0x3F9D]  }
0x1a: {  	s8 =	sadd.s32 $0xFFFFE003, lr  }
0x1b: {  	s9 =	sadd.s32 $0xFFFFFEF7, lr;
	s5 =	simm.s32 $0xFFFFFFFF;
	p2 =	slt.u32 s8, $0xFFFFF086  }
0x1c: {  	p1 =	slt.u32 s9, $0xF7A;
	s5 =	simm.s32 @!p2 $0x0  }
0x1d: {  	s5 =	simm.s32 @p1 $0x1;
	p0 =	seq.s32 s7, s2  }
0x1e: {  	s7 =	smul.u32 @!p0 $0xF7A, s2;
	p2 =	seq.s32 @!p0 s5, $0x0  }
0x1f: {  	s9 =	smul.u32 $0xF7A, s1;
	s8 =	simm.s32 @!p0 $0x1BF5;
	p2 =	por !p2, p0  }
0x20: {  	[sflag:s8] =	ssyncset.s32 @!p0 $0xFFFFF086;
	s6 =	sadd.s32 @!p0 s3, s7;
	s7 =	simm.s32 @!p0 $0x108  }
0x21: {  	s3 =	sadd.s32 s3, s9;
	s6 =	sadd.s32 @!p0 $0x88, s6;
	s7 =	simm.s32 @p2 $0x1082  }
0x22: {  	[simem:s7], [sflag:s8] =	dma.local @!p0 [hbm:s6], $0xF7A  }
0x23: {  	s9 =	sor.u32 $0xD0000000, s2;
	s6 =	simm.s32 $0x108;
	_ =	swait.ge @!p0 [sflag:s8], $0x0  }
0x24: {  	s3 =	sadd.s32 $0x88, s3;
	s6 =	simm.s32 @!p1 $0x1082;
	[sflag:s4] =	ssyncset.s32 $0xFFFFF086  }
0x25: {  	[simem:s6], [sflag:s4] =	dma.local [hbm:s3], $0xF7A  }
0x26: {  	[smem:$0x3F9D] =	sst s1;
	(tag) =	ssettag s2;
	_ =	strace s9  }
0x27: {  	s1 =	sld [smem:$0x3FAD]  }
0x28: {  	s2 =	sld [smem:$0x3FAE]  }
0x29: {  	s4 =	sld [smem:$0x3FB0]  }
0x2a: {  	p0 =	seq.s32 s5, $0x0;
	s5 =	sld [smem:$0x3FB1]  }
0x2b: {  	s6 =	sld [smem:$0x3FB2]  }
0x2c: {  	s7 =	sld [smem:$0x3FB3]  }
0x2d: {  	s3 =	simm.s32 $0x108;
	s8 =	sld [smem:$0x3FB4]  }
0x2e: {  	s3 =	simm.s32 @!p0 $0x1082;
	s9 =	sld [smem:$0x3FB5]  }
0x2f: {  	lr =	sadd.s32 s0, s3;
	s0 =	sld [smem:$0x3FAC]  }
0x30: {  	s3 =	sld [smem:$0x3FAF]  }
0x31: {  	[smem:$0x3FB8] =	sst s10  }
0x32: {  	s10 =	sld [smem:$0x3FB6];
	_ =	sdelay $0x3  }
0x33: {  	p0 =	seq.s32 s10, $0x1;
	s10 =	sld [smem:$0x3FB8];
	_ =	sdelay $0x3  }
0x34: {  	[smem:$0x3FB8] =	sst s10  }
0x35: {  	s10 =	sld [smem:$0x3FB7];
	_ =	sdelay $0x3  }
0x36: {  	p1 =	seq.s32 s10, $0x1;
	s10 =	sld [smem:$0x3FB8];
	_ =	sdelay $0x3  }
0x37: {  	[smem:$0x3FB8] =	sst s10  }
0x38: {  	s10 =	sld [smem:$0x3FB9]  }
0x39: {  	_ = 	snop;
	(pc) =	sbr.ind lr, $3  }
0x3a: {  	_ = 	snop  }
0x3b: {  	_ = 	snop  }
0x3c: {  	p2 =	seq.s32 s10, $0x1;
	s10 =	sld [smem:$0x3FB8]  }
0x3d: {  	_ =	shalt  }
0x3e: {  	_ =	shalt  }
0x3f: {  	_ =	shalt  }
0x40: {  	_ =	shalt  }
0x41: {  	_ =	shalt  }
0x42: {  	_ =	shalt  }
0x43: {  	_ =	shalt  }
0x44: {  	_ =	shalt  }
0x45: {  	_ =	shalt  }
0x46: {  	_ =	shalt  }
0x47: {  	_ =	shalt  }
0x48: {  	_ =	shalt  }
0x49: {  	_ =	shalt  }
0x4a: {  	_ =	shalt  }
0x4b: {  	_ =	shalt  }
0x4c: {  	_ =	shalt  }
0x4d: {  	_ =	shalt  }
0x4e: {  	_ =	shalt  }
0x4f: {  	_ =	shalt  }
0x50: {  	_ =	shalt  }
0x51: {  	_ =	shalt  }
0x52: {  	_ =	shalt  }
0x53: {  	_ =	shalt  }
0x54: {  	_ =	shalt  }
0x55: {  	_ =	shalt  }
0x56: {  	_ =	shalt  }
0x57: {  	_ =	shalt  }
0x58: {  	_ =	shalt  }
0x59: {  	_ =	shalt  }
0x5a: {  	_ =	shalt  }
0x5b: {  	_ =	shalt  }
0x5c: {  	_ =	shalt  }
0x5d: {  	_ =	shalt  }
0x5e: {  	_ =	shalt  }
0x5f: {  	_ =	shalt  }
0x60: {  	_ =	shalt  }
0x61: {  	_ =	shalt  }
0x62: {  	_ =	shalt  }
0x63: {  	_ =	shalt  }
0x64: {  	_ =	shalt  }
0x65: {  	_ =	shalt  }
0x66: {  	_ =	shalt  }
0x67: {  	_ =	shalt  }
0x68: {  	_ =	shalt  }
0x69: {  	_ =	shalt  }
0x6a: {  	_ =	shalt  }
0x6b: {  	_ =	shalt  }
0x6c: {  	_ =	shalt  }
0x6d: {  	_ =	shalt  }
0x6e: {  	_ =	shalt  }
0x6f: {  	_ =	shalt  }
0x70: {  	_ =	shalt  }
0x71: {  	_ =	shalt  }
0x72: {  	_ =	shalt  }
0x73: {  	_ =	shalt  }
0x74: {  	_ =	shalt  }
0x75: {  	_ =	shalt  }
0x76: {  	_ =	shalt  }
0x77: {  	_ =	shalt  }
0x78: {  	_ =	shalt  }
0x79: {  	_ =	shalt  }
0x7a: {  	_ =	shalt  }
0x7b: {  	_ =	shalt  }
0x7c: {  	_ =	shalt  }
0x7d: {  	_ =	shalt  }
0x7e: {  	_ =	shalt  }
0x7f: {  	_ =	shalt  }
0x80: {  	_ =	shalt  }
0x81: {  	_ =	shalt  }
0x82: {  	_ =	shalt  }
0x83: {  	_ =	shalt  }
0x84: {  	_ =	shalt  }
0x85: {  	_ =	shalt  }
0x86: {  	_ =	shalt  }
0x87: {  	_ =	shalt  }
.Lfunc_end0:
.L_simem_size_0:
called_computation.1_lowered:
.L_overlay_start_0:
0x88: {  	s2 =	sld [smem:$0x3FD9]  }
0x89: {  	s3 =	sld [smem:$0x3FFE];
	_ =	sdelay $0x1  }
0x8a: {  	s1 =	srdreg.scid  }
0x8b: {  	s0 =	sand.u32 $0x1, s1  }
0x8c: {  	s17 =	sshll.u32 s0, $0xA;
	s2 =	sadd.s32 s3, s2  }
0x8d: {  	s2 =	sadd.s32 s2, s17  }
0x8e: {  	[smem:$0x3FC4] =	sst s2  }
0x8f: {  	_ = 	snop  }
0x90: {  	s2 =	sld [smem:$0x3FD0];
	(tm) =	ssettm $0x1  }
0x91: {  	s18 =	sld [smem:$0x3FFB];
	_ =	sdelay $0x3  }
0x92: {  	_ =	strace s18  }
0x93: {  	s3 =	sld [smem:$0x3FFC];
	_ =	sdelay $0x3  }
0x94: {  	_ =	strace s3  }
0x95: {  	s3 =	sld [smem:$0x3FFD];
	_ =	sdelay $0x3  }
0x96: {  	_ =	strace s3  }
0x97: {  	_ =	strace $0x8FFFFFFF  }
0x98: {  	s19 =	sld [smem:$0x3FDB];
	_ =	sdelay $0x1  }
0x99: {  	s4 =	simm.s32 $_scs_section_size  }
0x9a: {  	s5 =	simm.s32 $_size__tile_overlayer_lowered;
	s6 =	simm.s32 $_tile_overlayer_lowered  }
0x9b: {  	s22 =	simm.s32 $0x1BFF;
	s21 =	sshll.u32 s6, $0x1;
	s3 =	sadd.s32 s4, s19  }
0x9c: {  	s7 =	simm.s32 $0x0;
	s20 =	sshll.u32 s5, $0x1;
	s5 =	sadd.s32 s21, s3  }
0x9d: {  	[timem:s7], [sflag:s22] =	dma.local [hbm:s5], s20  }
0x9e: {  	_ =	swait.ge [sflag:s22], s20  }
0x9f: {  	s4 =	ssub.s32 $0x0, s20;
	[sflag:s22] =	ssyncset.done $0x0  }
0xa0: {  	[sflag:s22] =	ssyncadd.s32 s4;
	_ =	sdelay $0x1  }
0xa1: {  	s23 =	simm.s32 $0x1B8B  }
0xa2: {  	_ =	swait.ge [sflag:s23], $0x1  }
0xa3: {  	[sflag:s23] =	ssyncset.done $0x0  }
0xa4: {  	s25 =	simm.s32 $0x1B8E;
	s24 =	sld [smem:$0x3FFE];
	[sflag:s23] =	ssyncadd.s32 $0xFFFFFFFF  }
0xa5: {  	s26 =	simm.s32 $execute0_lowered;
	[smem:$0x3FD2] =	sst s25  }
0xa6: {  	s5 =	sshll.u32 s26, $0x1;
	_ =	strace $0x80000049;
	[dreg:$0x1] =	wrdreg $0xFFFFFFFF  }
0xa7: {  	s28 =	simm.s32 $_size_execute0_lowered;
	s3 =	sadd.s32 s3, s5;
	[dreg:$0x0] =	wrdreg $0x0  }
0xa8: {  	s5 =	sshll.u32 s28, $0x1;
	[dreg:$0x2] =	wrdreg s3  }
0xa9: {  	[dreg:$0x3] =	wrdreg s5  }
0xaa: {  	[dreg:$0x4] =	wrdreg $0xC0  }
0xab: {  	_ =	task [dreg:s7], $0x5FFFF  }
0xac: {  	[dreg:$0x1] =	wrdreg $0xFFFFFFFF  }
0xad: {  	[dreg:$0x0] =	wrdreg $0x60  }
0xae: {  	[dreg:$0x2] =	wrdreg s2  }
0xaf: {  	[dreg:$0x3] =	wrdreg s24  }
0xb0: {  	[dreg:$0x4] =	wrdreg $0x13D000  }
0xb1: {  	[dreg:$0x5] =	wrdreg $0x9  }
0xb2: {  	_ =	task.clear_ibuf [dreg:s7], $0x6FFFF;
	_ =	strace $0x90000049  }
0xb3: {  	s29 =	simm.s32 $0x9;
	_ =	strace $0x8000004B  }
0xb4: {  	_ =	swait.ge [sflag:s29], $0x1  }
0xb5: {  	[sflag:s29] =	ssyncadd.s32 $0xFFFFFFFF  }
0xb6: {  	_ =	strace $0x9000004B  }
0xb7: {  	_ =	sfence  }
0xb8: {  	s30 =	sld [smem:$0x0];
	_ =	sdelay $0x2  }
0xb9: {  	s31 =	sshll.u32 s1, $0xD;
	s1 =	sshrl.u32 s1, $0x2  }
0xba: {  	s3 =	sand.u32 $0x4000, s31;
	s1 =	sadd.s32 s1, s30  }
0xbb: {  	s0 =	sor.u32 s3, s0;
	s1 =	sshll.u32 s1, $0x11  }
0xbc: {  	s0 =	sor.u32 s1, s0  }
0xbd: {  	s0 =	sadd.s32 $0x8F2B, s0  }
0xbe: {  	[sflag:s0] =	ssyncadd.remote.s32 $0x1  }
0xbf: {  	_ =	sfence.sel $0xFFFF  }
0xc0: {  	[dreg:$0x0] =	wrdreg $0xFFFFFFFF;
	(pc) =	sbr.abs _section_cstart, $3  }
0xc1: {  	[dreg:$0x1] =	wrdreg $0xFFFFFFFF  }
0xc2: {  	_ =	task.clear_ibuf [dreg:s7], $0x2FFFF;
	_ =	strace $0x9FFFFFFF  }
0xc3: {  	(tm) =	ssettm $0x7FFFFFFF  }
tec
execute0_lowered:
.L_overlay_start_1:
0x0: {  	(tag) =	ssettag $0x1  }
0x1: {  	s0 =	rddreg [dreg:$0x0]  }
0x2: {  	s1 =	rddreg [dreg:$0x1]  }
0x3: {  	s2 =	rddreg [dreg:$0x2];
	s10 =	stileid.u32  }
0x4: {  	s5 =	srdreg.scid;
	s3 =	simm.s32 $0x0;
	s15 =	simm.s32 $0x9  }
0x5: {  	s17 =	simm.s32 $0x11D00;
	s18 =	simm.s32 $0x7D;
	s19 =	simm.s32 $0xA000  }
0x6: {  	s21 =	simm.s32 $0xBF40;
	s23 =	simm.s32 $0xDE80;
	s28 =	simm.s32 $0x2  }
0x7: {  	s29 =	simm.s32 $0x3;
	s30 =	simm.s32 $0x4;
	s4 =	smul.u32 $0x5000, s10  }
0x8: {  	s31 =	simm.s32 $0x5;
	s16 =	simm.s32 $0x8;
	s7 =	smul.u32 $0xA000, s10  }
0x9: {  	s22 =	simm.s32 $0x0;
	s9 =	sand.u32 $0x1, s5;
	s10 =	smul.u32 $0x28000, s10  }
0xa: {  	[smem:$0x7FF] =	sst s3;
	s24 =	sadd.s32 $0x65400, s1;
	s5 =	smul.u32 $0xA0000, s9  }
0xb: {  	_ =	strace $0x8000004A;
	s8 =	ssub.s32 $0x2, s9;
	[dreg:$0x4] =	wrdreg s24  }
0xc: {  	s12 =	smul.u32 $0x13880, s9;
	s4 =	sshrl.u32 s4, $0x3;
	s11 =	sshrl.u32 s8, $0x1  }
0xd: {  	s25 =	sshrl.u32 s10, $0x2;
	s6 =	sadd.s32 s4, s1;
	s5 =	sadd.s32 s7, s5  }
0xe: {  	s14 =	ssub.s32 s8, s11;
	s26 =	sadd.s32 s25, s2;
	s7 =	sadd.s32 s7, s2  }
0xf: {  	s12 =	sadd.s32 s0, s12;
	s25 =	simm.s32 $0xFDC0;
	s0 =	simm.s32 $0x6  }
0x10: {  	s5 =	sshrl.u32 s5, $0x3;
	s8 =	sadd.s32 $0x2000, s26;
	s9 =	sadd.s32 $0x4000, s26  }
0x11: {  	s10 =	sadd.s32 $0x6000, s26;
	s11 =	sadd.s32 $0x8000, s26;
	s14 =	smax.u32 s14, $0x1  }
0x12: {  	s26 =	simm.s32 $0x1;
	s1 =	sadd.s32 s5, s1;
	s5 =	sadd.s32 $0x1400, s6  }
0x13: {  	s6 =	sadd.s32 $0xB400, s6;
	s13 =	sadd.s32 $0x65800, s1;
	s1 =	simm.s32 $0x7  }
.LBB2_1:
0x14: {  	[tilespmem:s3], [sflag:$0x9] =	stream.linear.gather [hbm4b:s5+s3], $0x5000, $0x38;
	[tilespmem:$0x1DD00] =	vst v63  }
0x15: {  	_ =	swait.ge [sflag:s15], $0x5000  }
0x16: {  	[sflag:s15] =	ssyncset.done $0x0  }
0x17: {  	s4 =	simm.s32 $0x5000;
	[sflag:s15] =	ssyncadd.s32 $0xFFFFB000  }
0x18: {  	[tilespmem:s4], [sflag:$0x9] =	stream.linear.gather [hbm4b:s6+s3], $0x5000, $0x38;
	[tilespmem:$0x1DD00] =	vst v63  }
0x19: {  	_ =	swait.ge [sflag:s15], $0x5000  }
0x1a: {  	[sflag:s15] =	ssyncset.done $0x0  }
0x1b: {  	s20 =	rddreg [dreg:$0x4];
	[sflag:s15] =	ssyncadd.s32 $0xFFFFB000  }
0x1c: {  	[tilespmem:s17], [sflag:$0x9] =	stream.linear.gather [hbm4b:s20+s3], $0x2000, $0x38;
	[tilespmem:$0x1DD00] =	vst v63  }
0x1d: {  	_ =	swait.ge [sflag:s15], $0x2000  }
0x1e: {  	[sflag:s15] =	ssyncset.done $0x0  }
0x1f: {  	[sflag:s15] =	ssyncadd.s32 $0xFFFFE000  }
0x20: {  	[spmem:s7] =	stream.linear.scatter [tilespmem:s17], [sflag:$0x9], $0x2000, $0x38;
	[tilespmem:$0x1DD00] =	vst v63  }
0x21: {  	_ =	swait.ge [sflag:s15], $0x2000  }
0x22: {  	[sflag:s15] =	ssyncset.done $0x0  }
0x23: {  	[sflag:s15] =	ssyncadd.s32 $0xFFFFE000  }
0x24: {  	[spmem:s8] =	stream.linear.scatter [tilespmem:s17], [sflag:$0x9], $0x2000, $0x38;
	[tilespmem:$0x1DD00] =	vst v63  }
0x25: {  	_ =	swait.ge [sflag:s15], $0x2000  }
0x26: {  	[sflag:s15] =	ssyncset.done $0x0  }
0x27: {  	[sflag:s15] =	ssyncadd.s32 $0xFFFFE000  }
0x28: {  	[spmem:s9] =	stream.linear.scatter [tilespmem:s17], [sflag:$0x9], $0x2000, $0x38;
	[tilespmem:$0x1DD00] =	vst v63  }
0x29: {  	_ =	swait.ge [sflag:s15], $0x2000  }
0x2a: {  	[sflag:s15] =	ssyncset.done $0x0  }
0x2b: {  	[sflag:s15] =	ssyncadd.s32 $0xFFFFE000  }
0x2c: {  	[spmem:s10] =	stream.linear.scatter [tilespmem:s17], [sflag:$0x9], $0x2000, $0x38;
	[tilespmem:$0x1DD00] =	vst v63  }
0x2d: {  	_ =	swait.ge [sflag:s15], $0x2000  }
0x2e: {  	[sflag:s15] =	ssyncset.done $0x0  }
0x2f: {  	[sflag:s15] =	ssyncadd.s32 $0xFFFFE000  }
0x30: {  	[spmem:s11] =	stream.linear.scatter [tilespmem:s17], [sflag:$0x9], $0x2000, $0x38;
	[tilespmem:$0x1DD00] =	vst v63  }
0x31: {  	_ =	swait.ge [sflag:s15], $0x2000  }
0x32: {  	[sflag:s15] =	ssyncset.done $0x0  }
0x33: {  	[sflag:s15] =	ssyncadd.s32 $0xFFFFE000  }
0x34: {  	[bflag:$0x0] =	sbarrier.arrive $0xFFFF  }
0x35: {  	[tilespmem:s19], [sflag:$0x1] =	stream.indirect.gather [hbm4b:s12+s18], $0x40, s3, s18, $0xb8;
	[tilespmem:$0x1DD00] =	vst v63  }
0x36: {  	s24 =	simm.s32 $0x80  }
0x37: {  	[tilespmem:s21], [sflag:$0x2] =	stream.indirect.gather [hbm4b:s12+s18], $0x40, s24, s18, $0xb8;
	[tilespmem:$0x1DD00] =	vst v63  }
0x38: {  	s20 =	simm.s32 $0x100  }
0x39: {  	[tilespmem:s23], [sflag:$0x3] =	stream.indirect.gather [hbm4b:s12+s18], $0x40, s20, s18, $0xb8;
	[tilespmem:$0x1DD00] =	vst v63  }
0x3a: {  	s24 =	simm.s32 $0x180  }
0x3b: {  	[tilespmem:s25], [sflag:$0x4] =	stream.indirect.gather [hbm4b:s12+s18], $0x40, s24, s18, $0xb8;
	[tilespmem:$0x1DD00] =	vst v63  }
0x3c: {  	_ =	swait.ge [sflag:s26], $0x1F40  }
0x3d: {  	[sflag:s26] =	ssyncset.done $0x0  }
0x3e: {  	s20 =	simm.s32 $0x5000;
	[sflag:s26] =	ssyncadd.s32 $0xFFFFE0C0  }
0x3f: {  	[spmem:s2] =	stream.indirect.scatter.add.f32 [tilespmem:s19], [sflag:$0x5], $0x40, s20, s18, $0xb8;
	[tilespmem:$0x1DD00] =	vst v63  }
0x40: {  	_ =	swait.ge [sflag:s28], $0x1F40  }
0x41: {  	[sflag:s28] =	ssyncset.done $0x0  }
0x42: {  	s4 =	simm.s32 $0x5080;
	[sflag:s28] =	ssyncadd.s32 $0xFFFFE0C0  }
0x43: {  	[spmem:s2] =	stream.indirect.scatter.add.f32 [tilespmem:s21], [sflag:$0x6], $0x40, s4, s18, $0xb8;
	[tilespmem:$0x1DD00] =	vst v63  }
0x44: {  	_ =	swait.ge [sflag:s29], $0x1F40  }
0x45: {  	[sflag:s29] =	ssyncset.done $0x0  }
0x46: {  	s24 =	simm.s32 $0x5100;
	[sflag:s29] =	ssyncadd.s32 $0xFFFFE0C0  }
0x47: {  	[spmem:s2] =	stream.indirect.scatter.add.f32 [tilespmem:s23], [sflag:$0x7], $0x40, s24, s18, $0xb8;
	[tilespmem:$0x1DD00] =	vst v63  }
0x48: {  	_ =	swait.ge [sflag:s30], $0x1F40  }
0x49: {  	[sflag:s30] =	ssyncset.done $0x0  }
0x4a: {  	s4 =	simm.s32 $0x5180;
	[sflag:s30] =	ssyncadd.s32 $0xFFFFE0C0  }
0x4b: {  	[spmem:s2] =	stream.indirect.scatter.add.f32 [tilespmem:s25], [sflag:$0x8], $0x40, s4, s18, $0xb8;
	[tilespmem:$0x1DD00] =	vst v63  }
0x4c: {  	_ =	swait.ge [sflag:s31], $0x1F40  }
0x4d: {  	[sflag:s31] =	ssyncset.done $0x0  }
0x4e: {  	s24 =	simm.s32 $0x200;
	[sflag:s31] =	ssyncadd.s32 $0xFFFFE0C0  }
0x4f: {  	[tilespmem:s19], [sflag:$0x1] =	stream.indirect.gather [hbm4b:s12+s18], $0x40, s24, s18, $0xb8;
	[tilespmem:$0x1DD00] =	vst v63  }
0x50: {  	_ =	swait.ge [sflag:s0], $0x1F40  }
0x51: {  	[sflag:s0] =	ssyncset.done $0x0  }
0x52: {  	s4 =	simm.s32 $0x280;
	[sflag:s0] =	ssyncadd.s32 $0xFFFFE0C0  }
0x53: {  	[tilespmem:s21], [sflag:$0x2] =	stream.indirect.gather [hbm4b:s12+s18], $0x40, s4, s18, $0xb8;
	[tilespmem:$0x1DD00] =	vst v63  }
0x54: {  	_ =	swait.ge [sflag:s1], $0x1F40  }
0x55: {  	[sflag:s1] =	ssyncset.done $0x0  }
0x56: {  	s24 =	simm.s32 $0x300;
	[sflag:s1] =	ssyncadd.s32 $0xFFFFE0C0  }
0x57: {  	[tilespmem:s23], [sflag:$0x3] =	stream.indirect.gather [hbm4b:s12+s18], $0x40, s24, s18, $0xb8;
	[tilespmem:$0x1DD00] =	vst v63  }
0x58: {  	_ =	swait.ge [sflag:s16], $0x1F40  }
0x59: {  	[sflag:s16] =	ssyncset.done $0x0  }
0x5a: {  	s20 =	simm.s32 $0x380;
	s24 =	simm.s32 $0x800;
	[sflag:s16] =	ssyncadd.s32 $0xFFFFE0C0  }
.LBB2_2:
0x5b: {  	[tilespmem:s25], [sflag:$0x4] =	stream.indirect.gather [hbm4b:s12+s18], $0x40, s20, s18, $0xb8;
	[tilespmem:$0x1DD00] =	vst v63  }
0x5c: {  	s20 =	smov.u32 s24  }
0x5d: {  	p0 =	sne.s32 s24, $0x13000;
	s24 =	sadd.s32 $0x800, s24;
	_ =	swait.ge [sflag:s26], $0x1F40  }
0x5e: {  	s20 =	sshra.s32 s20, $0x2;
	[sflag:s26] =	ssyncset.done $0x0  }
0x5f: {  	s4 =	sadd.s32 $0x5000, s20;
	[sflag:s26] =	ssyncadd.s32 $0xFFFFE0C0  }
0x60: {  	[spmem:s2] =	stream.indirect.scatter.add.f32 [tilespmem:s19], [sflag:$0x5], $0x40, s4, s18, $0xb8;
	[tilespmem:$0x1DD00] =	vst v63  }
0x61: {  	_ =	swait.ge [sflag:s28], $0x1F40  }
0x62: {  	[sflag:s28] =	ssyncset.done $0x0  }
0x63: {  	s4 =	sadd.s32 $0x5080, s20;
	[sflag:s28] =	ssyncadd.s32 $0xFFFFE0C0  }
0x64: {  	[spmem:s2] =	stream.indirect.scatter.add.f32 [tilespmem:s21], [sflag:$0x6], $0x40, s4, s18, $0xb8;
	[tilespmem:$0x1DD00] =	vst v63  }
0x65: {  	_ =	swait.ge [sflag:s29], $0x1F40  }
0x66: {  	[sflag:s29] =	ssyncset.done $0x0  }
0x67: {  	s4 =	sadd.s32 $0x5100, s20;
	[sflag:s29] =	ssyncadd.s32 $0xFFFFE0C0  }
0x68: {  	[spmem:s2] =	stream.indirect.scatter.add.f32 [tilespmem:s23], [sflag:$0x7], $0x40, s4, s18, $0xb8;
	[tilespmem:$0x1DD00] =	vst v63  }
0x69: {  	_ =	swait.ge [sflag:s30], $0x1F40  }
0x6a: {  	[sflag:s30] =	ssyncset.done $0x0  }
0x6b: {  	s4 =	sadd.s32 $0x5180, s20;
	[sflag:s30] =	ssyncadd.s32 $0xFFFFE0C0  }
0x6c: {  	[spmem:s2] =	stream.indirect.scatter.add.f32 [tilespmem:s25], [sflag:$0x8], $0x40, s4, s18, $0xb8;
	[tilespmem:$0x1DD00] =	vst v63  }
0x6d: {  	_ =	swait.ge [sflag:s31], $0x1F40  }
0x6e: {  	[sflag:s31] =	ssyncset.done $0x0  }
0x6f: {  	s4 =	sadd.s32 $0x200, s20;
	[sflag:s31] =	ssyncadd.s32 $0xFFFFE0C0  }
0x70: {  	[tilespmem:s19], [sflag:$0x1] =	stream.indirect.gather [hbm4b:s12+s18], $0x40, s4, s18, $0xb8;
	[tilespmem:$0x1DD00] =	vst v63  }
0x71: {  	_ =	swait.ge [sflag:s0], $0x1F40  }
0x72: {  	[sflag:s0] =	ssyncset.done $0x0  }
0x73: {  	s4 =	sadd.s32 $0x280, s20;
	[sflag:s0] =	ssyncadd.s32 $0xFFFFE0C0  }
0x74: {  	[tilespmem:s21], [sflag:$0x2] =	stream.indirect.gather [hbm4b:s12+s18], $0x40, s4, s18, $0xb8;
	[tilespmem:$0x1DD00] =	vst v63  }
0x75: {  	_ =	swait.ge [sflag:s1], $0x1F40  }
0x76: {  	[sflag:s1] =	ssyncset.done $0x0  }
.Ltmp0:
0x77: {  	s4 =	sadd.s32 $0x300, s20;
	[sflag:s1] =	ssyncadd.s32 $0xFFFFE0C0;
	(pc) =	sbr.rel @p0 .LBB2_2-.Ltmp0, $4  }
0x78: {  	[tilespmem:s23], [sflag:$0x3] =	stream.indirect.gather [hbm4b:s12+s18], $0x40, s4, s18, $0xb8;
	[tilespmem:$0x1DD00] =	vst v63  }
0x79: {  	_ =	swait.ge [sflag:s16], $0x1F40  }
0x7a: {  	[sflag:s16] =	ssyncset.done $0x0  }
0x7b: {  	s20 =	sadd.s32 $0x380, s20;
	[sflag:s16] =	ssyncadd.s32 $0xFFFFE0C0  }
0x7c: {  	[tilespmem:s25], [sflag:$0x4] =	stream.indirect.gather [hbm4b:s12+s18], $0x40, s20, s18, $0xb8;
	[tilespmem:$0x1DD00] =	vst v63  }
0x7d: {  	_ =	swait.ge [sflag:s26], $0x1F40  }
0x7e: {  	[sflag:s26] =	ssyncset.done $0x0  }
0x7f: {  	s4 =	simm.s32 $0x9E00;
	[sflag:s26] =	ssyncadd.s32 $0xFFFFE0C0  }
0x80: {  	[spmem:s2] =	stream.indirect.scatter.add.f32 [tilespmem:s19], [sflag:$0x5], $0x40, s4, s18, $0xb8;
	[tilespmem:$0x1DD00] =	vst v63  }
0x81: {  	_ =	swait.ge [sflag:s28], $0x1F40  }
0x82: {  	[sflag:s28] =	ssyncset.done $0x0  }
0x83: {  	s24 =	simm.s32 $0x9E80;
	[sflag:s28] =	ssyncadd.s32 $0xFFFFE0C0  }
0x84: {  	[spmem:s2] =	stream.indirect.scatter.add.f32 [tilespmem:s21], [sflag:$0x6], $0x40, s24, s18, $0xb8;
	[tilespmem:$0x1DD00] =	vst v63  }
0x85: {  	_ =	swait.ge [sflag:s29], $0x1F40  }
0x86: {  	[sflag:s29] =	ssyncset.done $0x0  }
0x87: {  	s20 =	simm.s32 $0x9F00;
	[sflag:s29] =	ssyncadd.s32 $0xFFFFE0C0  }
0x88: {  	[spmem:s2] =	stream.indirect.scatter.add.f32 [tilespmem:s23], [sflag:$0x7], $0x40, s20, s18, $0xb8;
	[tilespmem:$0x1DD00] =	vst v63  }
0x89: {  	_ =	swait.ge [sflag:s30], $0x1F40  }
0x8a: {  	[sflag:s30] =	ssyncset.done $0x0  }
0x8b: {  	s24 =	simm.s32 $0x9F80;
	[sflag:s30] =	ssyncadd.s32 $0xFFFFE0C0  }
0x8c: {  	[spmem:s2] =	stream.indirect.scatter.add.f32 [tilespmem:s25], [sflag:$0x8], $0x40, s24, s18, $0xb8;
	[tilespmem:$0x1DD00] =	vst v63  }
0x8d: {  	_ =	swait.ge [sflag:s31], $0x1F40  }
0x8e: {  	[sflag:s31] =	ssyncset.done $0x0  }
0x8f: {  	[sflag:s31] =	ssyncadd.s32 $0xFFFFE0C0  }
0x90: {  	_ =	swait.ge [sflag:s0], $0x1F40  }
0x91: {  	[sflag:s0] =	ssyncset.done $0x0  }
0x92: {  	[sflag:s0] =	ssyncadd.s32 $0xFFFFE0C0  }
0x93: {  	_ =	swait.ge [sflag:s1], $0x1F40  }
0x94: {  	[sflag:s1] =	ssyncset.done $0x0  }
0x95: {  	[sflag:s1] =	ssyncadd.s32 $0xFFFFE0C0  }
0x96: {  	s20 =	stileid.u32;
	_ =	swait.ge [sflag:s16], $0x1F40  }
0x97: {  	s22 =	sadd.s32 $0x1, s22;
	s4 =	sshll.u32 s20, $0x6;
	[sflag:s16] =	ssyncset.done $0x0  }
0x98: {  	p0 =	sne.s32 s22, s14;
	s4 =	sor.u32 $0x1C09, s4;
	[sflag:s16] =	ssyncadd.s32 $0xFFFFE0C0  }
.Ltmp1:
0x99: {  	s24 =	sshrl.u32 s7, $0x3;
	[bflag:$0x0] =	sbarrier.arrive $0xFFFF;
	(pc) =	sbr.rel @p0 .LBB2_1-.Ltmp1, $4  }
0x9a: {  	[hbm:s13], [sflag:s4] =	dma.local [spmem:s24], $0x1400  }
0x9b: {  	_ =	swait.ge [sflag:s15], $0x1400  }
0x9c: {  	[sflag:s15] =	ssyncset.done $0x0  }
0x9d: {  	[sflag:s15] =	ssyncadd.s32 $0xFFFFEC00  }
0x9e: {  	_ =	sfence.sel $0x180000  }
0x9f: {  	[bflag:$0x0] =	sbarrier.arrive $0xFFFF  }
0xa0: {  	_ =	strace $0x9000004A  }
0xa1: {  	s0 =	stileid.u32;
	[bflag:$0x2] =	sbarrier.arrive $0xFFFF  }
0xa2: {  	p0 =	sne.s32 s0, $0x0;
	s0 =	rddreg [dreg:$0x3]  }
0xa3: {  	s0 =	sadd.s32 @!p0 $0x100000, s0  }
0xa4: {  	[sflag:s0] =	ssyncadd.tile.s32 @!p0 $0x1;
	_ =	shalt  }
.Lfunc_end2:
_tile_overlayer_lowered:
.L_overlay_start_2:
0xa5: {  	(tag) =	ssettag $0x2  }
0xa6: {  	s0 =	rddreg [dreg:$0x0];
	s2 =	stileid.u32  }
0xa7: {  	s1 =	rddreg [dreg:$0x1];
	p0 =	sne.s32 s2, $0x0  }
0xa8: {  	s3 =	rddreg [dreg:$0x2];
	[bflag:$0x3] =	sbarrier.arrive $0xFFFF;
	s2 =	simm.s32 @!p0 $0x1C09  }
0xa9: {  	[timem:s3], [sflag:s2] =	dma.local @!p0 [hbm:s0], s1  }
0xaa: {  	s0 =	simm.s32 @!p0 $0x9  }
0xab: {  	_ =	swait.ge @!p0 [sflag:s0], s1  }
0xac: {  	s1 =	ssub.s32 @!p0 $0x0, s1;
	[sflag:s0] =	ssyncset.done @!p0 $0x0  }
0xad: {  	[sflag:s0] =	ssyncadd.s32 @!p0 s1  }
0xae: {  	[bflag:$0x3] =	sbarrier.arrive $0xFFFF  }
0xaf: {  	_ =	shalt  }

</sc_bundles>
